<compile_context>
chip_gen: v7x
topology: tpu7x:2x2x1
jax: 0.10.2.dev20260603
libtpu: 0.0.44.dev20260713+nightly
codegen_flags: <defaults>
</compile_context>

<pallas_src>
import functools

import jax
import jax.numpy as jnp
from jax import lax
from jax.experimental import pallas as pl
from jax.experimental.pallas import tpu as pltpu
from jax.experimental.pallas import tpu_sc as plsc

_NC = 2
_NS = 16
_NW = _NC * _NS
_C = 128


def _make_sc_segment_sum(num_node, d, n_chunks, k0, k1):
    zrows = ((num_node + _NS - 1) // _NS + 7) // 8 * 8
    n_pad = _NS * zrows

    mesh = plsc.VectorSubcoreMesh(core_axis_name="c", subcore_axis_name="s",
                                  num_cores=_NC)

    G = 2

    @functools.partial(
        pl.kernel,
        out_type=jax.ShapeDtypeStruct((_NC * n_pad, d), jnp.float32),
        mesh=mesh,
        scratch_types=[
            pltpu.VMEM((2, G, 2, _C), jnp.int32),
            pltpu.VMEM((2, _C, d), jnp.float32),
            pltpu.VMEM((80, d), jnp.float32),
            pltpu.VMEM((_C,), jnp.int32),
            pltpu.VMEM_SHARED((n_pad, d), jnp.float32),
            pltpu.SemaphoreType.DMA,
            pltpu.SemaphoreType.DMA,
            pltpu.SemaphoreType.DMA,
            pltpu.SemaphoreType.DMA,
        ],
    )
    def sc_fn(x_hbm, idx_hbm, part_hbm, idxg, rows2, zbuf, dummy_idx, acc,
              sem0, sem1, sem2, sem3):
        core = lax.axis_index("c")
        sub = lax.axis_index("s")
        base = jnp.where(core == 0, sub * k0, _NS * k0 + sub * k1)
        n_groups = jnp.where(core == 0, k0 // G, k1 // G)
        sems = (sem0, sem1)
        sem_sc = (sem2, sem3)

        def _work():
            _ns = jax.named_scope
            def zstore(i, carry):
                r = i // (d // 16)
                cc = (i % (d // 16)) * 16
                zbuf[r, pl.ds(cc, 16)] = jnp.zeros((16,), jnp.float32)
                return carry

            lax.fori_loop(0, 80 * (d // 16), zstore, 0)

            def zcopy(k, carry):
                pltpu.sync_copy(zbuf, acc.at[pl.ds(sub * zrows + k * 80, 80)])
                return carry

            with jax.named_scope("zero_phase"):
                lax.fori_loop(0, zrows // 80, zcopy, 0)
                rem = zrows % 80
                if rem:
                    pltpu.sync_copy(
                        zbuf.at[pl.ds(0, rem)],
                        acc.at[pl.ds(sub * zrows + (zrows // 80) * 80, rem)])

            def dfill(t, carry):
                dummy_idx[pl.ds(t * 16, 16)] = jnp.full((16,), num_node,
                                                        jnp.int32)
                return carry

            lax.fori_loop(0, _C // 16, dfill, 0)

            @pl.when(n_groups > 0)
            def _prologue():
                pltpu.sync_copy(idx_hbm.at[pl.ds(base, G)], idxg.at[0])
                pltpu.async_copy(x_hbm.at[idxg.at[0, 0, 0]], rows2.at[0],
                                 sems[0])
                pltpu.async_copy(rows2.at[1], acc.at[dummy_idx], sem_sc[1],
                                 add=True)
            plsc.subcore_barrier()

            def body(gg, carry):
                for gpar in range(2):
                    g = gg * 2 + gpar
                    gbase = base + g * G

                    for j in range(G):
                        s = j % 2
                        pltpu.make_async_copy(rows2.at[1 - s],
                                              acc.at[dummy_idx],
                                              sem_sc[1 - s]).wait()
                        if j == 0:
                            @pl.when(g < n_groups - 1)
                            def _fetch():
                                pltpu.sync_copy(idx_hbm.at[pl.ds(gbase + G, G)],
                                                idxg.at[1 - gpar])
                        if j < G - 1:
                            pltpu.async_copy(
                                x_hbm.at[idxg.at[gpar, j + 1, 0]],
                                rows2.at[1 - s], sems[1 - s])
                        else:
                            @pl.when(g < n_groups - 1)
                            def _start():
                                pltpu.async_copy(
                                    x_hbm.at[idxg.at[1 - gpar, 0, 0]],
                                    rows2.at[1 - s], sems[1 - s])
                        pltpu.make_async_copy(x_hbm.at[idxg.at[gpar, j, 0]],
                                              rows2.at[s], sems[s]).wait()
                        pltpu.async_copy(rows2.at[s],
                                         acc.at[idxg.at[gpar, j, 1]],
                                         sem_sc[s], add=True)
                return carry

            with jax.named_scope("main_loop"):
                lax.fori_loop(0, n_groups // 2, body, 0)

            @pl.when(n_groups > 0)
            def _drain():
                pltpu.make_async_copy(rows2.at[1], acc.at[dummy_idx],
                                      sem_sc[1]).wait()
            plsc.subcore_barrier()

            with jax.named_scope("writeout"):
                pltpu.sync_copy(acc.at[pl.ds(sub * zrows, zrows)],
                                part_hbm.at[pl.ds(core * n_pad + sub * zrows,
                                                  zrows)])

        _work()

    return sc_fn, n_pad


def _mm_body(p0_ref, p1_ref, w_ref, o_ref):
    p = p0_ref[...] + p1_ref[...]
    o_ref[...] = lax.dot_general(p, w_ref[...], (((1,), (1,)), ((), ())),
                                 preferred_element_type=jnp.float32)


def kernel(x, edge_index, edge_attr, W_fc, W_edge, W_att):
    num_node, d = x.shape
    num_edge = edge_index.shape[1]

    row = edge_index[0].astype(jnp.int32)
    col = edge_index[1].astype(jnp.int32)

    n_chunks = -(-num_edge // (_C * 8 * _NS)) * 8 * _NS
    e_pad = n_chunks * _C
    col = jnp.pad(col, (0, e_pad - num_edge)).reshape(n_chunks, 1, _C)
    row = jnp.pad(row, (0, e_pad - num_edge),
                  constant_values=num_node).reshape(n_chunks, 1, _C)
    idxcat = jnp.concatenate([col, row], axis=1)

    per_tile = n_chunks // _NS
    k0 = (per_tile * 4 // 5) // 8 * 8
    k1 = per_tile - k0

    sc_fn, n_pad = _make_sc_segment_sum(num_node, d, n_chunks, k0, k1)
    part = sc_fn(x, idxcat)

    blk = n_pad // _NS
    grid = n_pad // blk
    z_pad = pl.pallas_call(
        _mm_body,
        grid=(grid,),
        in_specs=[
            pl.BlockSpec((blk, d), lambda i: (i, 0)),
            pl.BlockSpec((blk, d), lambda i: (i + grid, 0)),
            pl.BlockSpec((d, d), lambda i: (0, 0)),
        ],
        out_specs=pl.BlockSpec((blk, d), lambda i: (i, 0)),
        out_shape=jax.ShapeDtypeStruct((n_pad, d), jnp.float32),
    )(part, part, W_fc)
    return z_pad[:num_node]

# --- scband reference (transcript-rebuilt; emitter-appended) ---
"""Pipeline reference for scband-egat-69956427317436 (READ-ONLY COPY).

The authoritative reference and input builder live on the scoring server;
editing this copy changes nothing except your own understanding.
"""

import jax, jax.numpy as jnp
import numpy as np

IN_CH = 128
OUT_CH = 128
N_EDGE_FEAT = 4
N_NODES = 10000
N_EDGES = 320000

def setup_inputs(seed: int = 0) -> dict:
    key = jax.random.key(seed)
    k1, k2, k3, k4, k5, k6 = jax.random.split(key, 6)
    x = jax.random.normal(k1, (N_NODES, IN_CH), dtype=jnp.float32)
    edge_index = jax.random.randint(k2, (2, N_EDGES), 0, N_NODES, dtype=jnp.int64)
    edge_attr = jax.random.normal(k3, (N_EDGES, N_EDGE_FEAT), dtype=jnp.float32)
    # Parameters: torch nn.Linear weight shapes are [out_features, in_features].
    # Original init: uniform(size=in_channels, tensor) -> U(-1/sqrt(in_channels), 1/sqrt(in_channels))
    bound = 1.0 / np.sqrt(IN_CH)
    W_fc = jax.random.uniform(k4, (OUT_CH, IN_CH), dtype=jnp.float32, minval=-bound, maxval=bound)
    W_edge = jax.random.uniform(k5, (3, N_EDGE_FEAT), dtype=jnp.float32, minval=-bound, maxval=bound)
    W_att = jax.random.uniform(k6, (1, 2 * OUT_CH + 3), dtype=jnp.float32, minval=-bound, maxval=bound)
    return {"x": x, "edge_index": edge_index, "edge_attr": edge_attr,
            "W_fc": W_fc, "W_edge": W_edge, "W_att": W_att}


def reference(x, edge_index, edge_attr, W_fc, W_edge, W_att):
    row = edge_index[0]
    col = edge_index[1]
    num_node = x.shape[0]
    ea = edge_attr if edge_attr.ndim > 1 else edge_attr[:, None]
    xcol = x[col] @ W_fc.T                      # gather + dense [E, out]
    xrow = x[row] @ W_fc.T                      # gather + dense [E, out]
    ed = ea @ W_edge.T                          # [E, 3]
    alpha = jnp.concatenate([xrow, xcol, ed], axis=1) @ W_att.T  # [E, 1]
    alpha = jax.nn.leaky_relu(alpha, negative_slope=0.01)
    alpha = jax.nn.softmax(alpha, axis=1)       # softmax over singleton dim (faithful to torch dim=1)
    h = alpha * xcol                            # [E, out]
    out = jnp.zeros((num_node, W_fc.shape[0]), dtype=h.dtype)
    z = out.at[row].add(h)                      # scatter-add over dst nodes
    return z

if __name__ == "__main__":
    import jax
    _d = setup_inputs()
    print(jax.jit(kernel)(*tuple(_d.values())))

</pallas_src>

<mosaic_0001>
#map = affine_map<(d0, d1) -> (0, 0)>
#map1 = affine_map<(d0, d1) -> (0, 0, 0)>
module attributes {stable_mosaic.version = 14 : i64} {
  func.func @sc_fn(%arg0: i32, %arg1: i32, %arg2: memref<10000x128xf32, #tpu.memory_space<hbm>>, %arg3: memref<2560x2x128xi32, #tpu.memory_space<hbm>>, %arg4: memref<20224x128xf32, #tpu.memory_space<hbm>>, %arg5: memref<2x2x2x128xi32, #tpu.memory_space<vmem>>, %arg6: memref<2x128x128xf32, #tpu.memory_space<vmem>>, %arg7: memref<80x128xf32, #tpu.memory_space<vmem>>, %arg8: memref<128xi32, #tpu.memory_space<vmem>>, %arg9: memref<10112x128xf32, #tpu.memory_space<vmem_shared>>, %arg10: memref<!tpu.dma_semaphore, #tpu.memory_space<semaphore_mem>>, %arg11: memref<!tpu.dma_semaphore, #tpu.memory_space<semaphore_mem>>, %arg12: memref<!tpu.dma_semaphore, #tpu.memory_space<semaphore_mem>>, %arg13: memref<!tpu.dma_semaphore, #tpu.memory_space<semaphore_mem>>) attributes {dimension_semantics = [#tpu.dimension_semantics<core_parallel>, #tpu.dimension_semantics<subcore_parallel>], iteration_bounds = array<i64: 2, 16>, scalar_prefetch = 0 : i64, scratch_operands = 9 : i64, tpu.core_type = #tpu.core_type<sc_vector_subcore>, window_params = [{transform_indices = #map}, {transform_indices = #map1}, {transform_indices = #map}]} {
    %eq3A = arith.constant 0 : i32
    %eq3A_0 = arith.cmpi eq, %arg0, %eq3A : i32
    %mul3A = arith.constant 128 : i32
    %mul3A_1 = arith.muli %arg1, %mul3A : i32
    %mul3A_2 = arith.constant 32 : i32
    %mul3A_3 = arith.muli %arg1, %mul3A_2 : i32
    %add3A = arith.constant 2048 : i32
    %add3A_4 = arith.addi %add3A, %mul3A_3 : i32
    %select_n3A = arith.select %eq3A_0, %mul3A_1, %add3A_4 : i32
    %eq3A_5 = arith.constant 0 : i32
    %eq3A_6 = arith.cmpi eq, %arg0, %eq3A_5 : i32
    %jit3A = arith.constant 64 : i32
    %jit3A_7 = arith.constant 16 : i32
    %select_n3A_8 = arith.select %eq3A_6, %jit3A, %jit3A_7 : i32
    %scan3A = arith.constant 0 : i32
    %scan3A_9 = arith.constant 0 : i32
    %scan3A_10 = arith.constant 640 : i32
    %scan3A_11 = arith.addi %scan3A_9, %scan3A_10 : i32
    %scan3A_12 = arith.constant 1 : i32
    scf.for %scan3A_72 = %scan3A_9 to %scan3A_11 step %scan3A_12  : i32 {
      %jit3A_73 = arith.constant 8 : i32
      %div3A_74 = arith.divsi %scan3A_72, %jit3A_73 : i32
      %sign3A_75 = arith.constant 0 : i32
      %sign3A_76 = arith.cmpi sgt, %scan3A_72, %sign3A_75 : i32
      %sign3A_77 = arith.extui %sign3A_76 : i1 to i32
      %sign3A_78 = arith.constant 0 : i32
      %sign3A_79 = arith.cmpi slt, %scan3A_72, %sign3A_78 : i32
      %sign3A_80 = arith.extui %sign3A_79 : i1 to i32
      %sign3A_81 = arith.subi %sign3A_77, %sign3A_80 : i32
      %sign3A_82 = arith.constant 0 : i32
      %sign3A_83 = arith.cmpi sgt, %jit3A_73, %sign3A_82 : i32
      %sign3A_84 = arith.extui %sign3A_83 : i1 to i32
      %sign3A_85 = arith.constant 0 : i32
      %sign3A_86 = arith.cmpi slt, %jit3A_73, %sign3A_85 : i32
      %sign3A_87 = arith.extui %sign3A_86 : i1 to i32
      %sign3A_88 = arith.subi %sign3A_84, %sign3A_87 : i32
      %ne3A_89 = arith.cmpi ne, %sign3A_81, %sign3A_88 : i32
      %rem3A_90 = arith.remsi %scan3A_72, %jit3A_73 : i32
      %ne3A_91 = arith.constant 0 : i32
      %ne3A_92 = arith.cmpi ne, %rem3A_90, %ne3A_91 : i32
      %and3A_93 = arith.andi %ne3A_89, %ne3A_92 : i1
      %sub3A_94 = arith.constant 1 : i32
      %sub3A_95 = arith.subi %div3A_74, %sub3A_94 : i32
      %select_n3A_96 = arith.select %and3A_93, %sub3A_95, %div3A_74 : i32
      %jit3A_97 = arith.constant 8 : i32
      %eq3A_98 = arith.constant 0 : i32
      %eq3A_99 = arith.cmpi eq, %jit3A_97, %eq3A_98 : i32
      %jit3A_100 = arith.constant 1 : i32
      %select_n3A_101 = arith.select %eq3A_99, %jit3A_100, %jit3A_97 : i32
      %rem3A_102 = arith.remsi %scan3A_72, %select_n3A_101 : i32
      %ne3A_103 = arith.constant 0 : i32
      %ne3A_104 = arith.cmpi ne, %rem3A_102, %ne3A_103 : i32
      %lt3A = arith.constant 0 : i32
      %lt3A_105 = arith.cmpi slt, %rem3A_102, %lt3A : i32
      %lt3A_106 = arith.constant 0 : i32
      %lt3A_107 = arith.cmpi slt, %select_n3A_101, %lt3A_106 : i32
      %ne3A_108 = arith.xori %lt3A_105, %lt3A_107 : i1
      %and3A_109 = arith.andi %ne3A_108, %ne3A_104 : i1
      %add3A_110 = arith.addi %rem3A_102, %select_n3A_101 : i32
      %select_n3A_111 = arith.select %and3A_109, %add3A_110, %rem3A_102 : i32
      %mul3A_112 = arith.constant 16 : i32
      %mul3A_113 = arith.muli %select_n3A_111, %mul3A_112 : i32
      %broadcast_in_dim3A = arith.constant 0.000000e+00 : f32
      %broadcast_in_dim3A_114 = vector.broadcast %broadcast_in_dim3A : f32 to vector<16xf32>
      %swap3A = arith.index_cast %select_n3A_96 : i32 to index
      %swap3A_115 = arith.index_cast %mul3A_113 : i32 to index
      %swap3A_116 = tpu.vector_load %arg7[%swap3A, %swap3A_115] {strides = array<i32>} : memref<80x128xf32, #tpu.memory_space<vmem>>, vector<1x16xf32>,
      %swap3A_117 = vector.shape_cast %swap3A_116 : vector<1x16xf32> to vector<16xf32>
      %swap3A_118 = vector.shape_cast %broadcast_in_dim3A_114 : vector<16xf32> to vector<1x16xf32>
      tpu.vector_store %arg7[%swap3A, %swap3A_115], %swap3A_118 {strides = array<i32>} : memref<80x128xf32, #tpu.memory_space<vmem>>, vector<1x16xf32>,
    }
    %scan3A_13 = arith.constant 640 : i32
    "tpu.trace_start"() <{level = 10 : i32, message = "zero_phase"}> : () -> ()
    %scan3A_14 = arith.constant 0 : i32
    %scan3A_15 = arith.constant 0 : i32
    %scan3A_16 = arith.constant 7 : i32
    %scan3A_17 = arith.addi %scan3A_15, %scan3A_16 : i32
    %scan3A_18 = arith.constant 1 : i32
    scf.for %scan3A_72 = %scan3A_15 to %scan3A_17 step %scan3A_18  : i32 {
      %mul3A_73 = arith.constant 632 : i32
      %mul3A_74 = arith.muli %arg1, %mul3A_73 : i32
      %mul3A_75 = arith.constant 80 : i32
      %mul3A_76 = arith.muli %scan3A_72, %mul3A_75 : i32
      %add3A_77 = arith.addi %mul3A_74, %mul3A_76 : i32
      "tpu.region"() ({
        %run_scoped3A = tpu.sem_alloc : memref<!tpu.dma_semaphore, #tpu.memory_space<semaphore_mem>>
        %dma_start3A = arith.constant 0 : i32
        %dma_start3A_78 = tpu.memref_slice %arg9[%add3A_77, %dma_start3A] : memref<10112x128xf32, #tpu.memory_space<vmem_shared>> -> memref<80x128xf32, #tpu.memory_space<vmem_shared>>
        %dma_start3A_79 = arith.constant 0 : i32
        %dma_start3A_80 = tpu.memref_slice %arg9[%add3A_77, %dma_start3A_79] : memref<10112x128xf32, #tpu.memory_space<vmem_shared>> -> memref<80x128xf32, #tpu.memory_space<vmem_shared>>
        tpu.enqueue_dma source(%arg7 : memref<80x128xf32, #tpu.memory_space<vmem>>) target(%dma_start3A_80 : memref<80x128xf32, #tpu.memory_space<vmem_shared>>) target_semaphore(%run_scoped3A : memref<!tpu.dma_semaphore, #tpu.memory_space<semaphore_mem>>)
        %dma_wait3A = arith.constant 0 : i32
        %dma_wait3A_81 = tpu.memref_slice %arg9[%add3A_77, %dma_wait3A] : memref<10112x128xf32, #tpu.memory_space<vmem_shared>> -> memref<80x128xf32, #tpu.memory_space<vmem_shared>>
        %dma_wait3A_82 = arith.constant 0 : i32
        %dma_wait3A_83 = tpu.memref_slice %arg9[%add3A_77, %dma_wait3A_82] : memref<10112x128xf32, #tpu.memory_space<vmem_shared>> -> memref<80x128xf32, #tpu.memory_space<vmem_shared>>
        tpu.wait_dma2 semaphore(%run_scoped3A : memref<!tpu.dma_semaphore, #tpu.memory_space<semaphore_mem>>) src(%arg7 : memref<80x128xf32, #tpu.memory_space<vmem>>) dst(%dma_wait3A_83 : memref<80x128xf32, #tpu.memory_space<vmem_shared>>)
        tpu.yield
      }) : () -> ()
    }
    %scan3A_19 = arith.constant 7 : i32
    %mul3A_20 = arith.constant 632 : i32
    %mul3A_21 = arith.muli %arg1, %mul3A_20 : i32
    %add3A_22 = arith.constant 560 : i32
    %add3A_23 = arith.addi %mul3A_21, %add3A_22 : i32
    "tpu.region"() ({
      %run_scoped3A = tpu.sem_alloc : memref<!tpu.dma_semaphore, #tpu.memory_space<semaphore_mem>>
      %dma_start3A = arith.constant 0 : i32
      %dma_start3A_72 = arith.constant 0 : i32
      %dma_start3A_73 = tpu.memref_slice %arg7[%dma_start3A, %dma_start3A_72] : memref<80x128xf32, #tpu.memory_space<vmem>> -> memref<72x128xf32, #tpu.memory_space<vmem>>
      %dma_start3A_74 = arith.constant 0 : i32
      %dma_start3A_75 = tpu.memref_slice %arg9[%add3A_23, %dma_start3A_74] : memref<10112x128xf32, #tpu.memory_space<vmem_shared>> -> memref<72x128xf32, #tpu.memory_space<vmem_shared>>
      %dma_start3A_76 = arith.constant 0 : i32
      %dma_start3A_77 = tpu.memref_slice %arg9[%add3A_23, %dma_start3A_76] : memref<10112x128xf32, #tpu.memory_space<vmem_shared>> -> memref<72x128xf32, #tpu.memory_space<vmem_shared>>
      %dma_start3A_78 = arith.constant 0 : i32
      %dma_start3A_79 = arith.constant 0 : i32
      %dma_start3A_80 = tpu.memref_slice %arg7[%dma_start3A_78, %dma_start3A_79] : memref<80x128xf32, #tpu.memory_space<vmem>> -> memref<72x128xf32, #tpu.memory_space<vmem>>
      tpu.enqueue_dma source(%dma_start3A_80 : memref<72x128xf32, #tpu.memory_space<vmem>>) target(%dma_start3A_77 : memref<72x128xf32, #tpu.memory_space<vmem_shared>>) target_semaphore(%run_scoped3A : memref<!tpu.dma_semaphore, #tpu.memory_space<semaphore_mem>>)
      %dma_wait3A = arith.constant 0 : i32
      %dma_wait3A_81 = arith.constant 0 : i32
      %dma_wait3A_82 = tpu.memref_slice %arg7[%dma_wait3A, %dma_wait3A_81] : memref<80x128xf32, #tpu.memory_space<vmem>> -> memref<72x128xf32, #tpu.memory_space<vmem>>
      %dma_wait3A_83 = arith.constant 0 : i32
      %dma_wait3A_84 = tpu.memref_slice %arg9[%add3A_23, %dma_wait3A_83] : memref<10112x128xf32, #tpu.memory_space<vmem_shared>> -> memref<72x128xf32, #tpu.memory_space<vmem_shared>>
      %dma_wait3A_85 = arith.constant 0 : i32
      %dma_wait3A_86 = tpu.memref_slice %arg9[%add3A_23, %dma_wait3A_85] : memref<10112x128xf32, #tpu.memory_space<vmem_shared>> -> memref<72x128xf32, #tpu.memory_space<vmem_shared>>
      %dma_wait3A_87 = arith.constant 0 : i32
      %dma_wait3A_88 = arith.constant 0 : i32
      %dma_wait3A_89 = tpu.memref_slice %arg7[%dma_wait3A_87, %dma_wait3A_88] : memref<80x128xf32, #tpu.memory_space<vmem>> -> memref<72x128xf32, #tpu.memory_space<vmem>>
      tpu.wait_dma2 semaphore(%run_scoped3A : memref<!tpu.dma_semaphore, #tpu.memory_space<semaphore_mem>>) src(%dma_wait3A_89 : memref<72x128xf32, #tpu.memory_space<vmem>>) dst(%dma_wait3A_86 : memref<72x128xf32, #tpu.memory_space<vmem_shared>>)
      tpu.yield
    }) : () -> ()
    "tpu.trace_stop"() : () -> ()
    %scan3A_24 = arith.constant 0 : i32
    %scan3A_25 = arith.constant 0 : i32
    %scan3A_26 = arith.constant 8 : i32
    %scan3A_27 = arith.addi %scan3A_25, %scan3A_26 : i32
    %scan3A_28 = arith.constant 1 : i32
    scf.for %scan3A_72 = %scan3A_25 to %scan3A_27 step %scan3A_28  : i32 {
      %broadcast_in_dim3A = arith.constant 10000 : i32
      %broadcast_in_dim3A_73 = vector.broadcast %broadcast_in_dim3A : i32 to vector<16xi32>
      %mul3A_74 = arith.constant 16 : i32
      %mul3A_75 = arith.muli %scan3A_72, %mul3A_74 : i32
      %swap3A = arith.index_cast %mul3A_75 : i32 to index
      %swap3A_76 = tpu.vector_load %arg8[%swap3A] {strides = array<i32>} : memref<128xi32, #tpu.memory_space<vmem>>, vector<16xi32>,
      %swap3A_77 = vector.shape_cast %swap3A_76 : vector<16xi32> to vector<16xi32>
      %swap3A_78 = vector.shape_cast %broadcast_in_dim3A_73 : vector<16xi32> to vector<16xi32>
      tpu.vector_store %arg8[%swap3A], %swap3A_78 {strides = array<i32>} : memref<128xi32, #tpu.memory_space<vmem>>, vector<16xi32>,
    }
    %scan3A_29 = arith.constant 8 : i32
    %gt3A = arith.constant 0 : i32
    %gt3A_30 = arith.cmpi sgt, %select_n3A_8, %gt3A : i32
    %convert_element_type3A = arith.extui %gt3A_30 : i1 to i32
    %cond3A = arith.constant 0 : i32
    %cond3A_31 = arith.cmpi ne, %convert_element_type3A, %cond3A : i32
    scf.if %cond3A_31 {
      %run_scoped3A = arith.constant 0 : i32
      "tpu.region"() ({
        %run_scoped3A_93 = tpu.sem_alloc : memref<!tpu.dma_semaphore, #tpu.memory_space<semaphore_mem>>
        %dma_start3A_94 = arith.constant 0 : i32
        %dma_start3A_95 = arith.constant 0 : i32
        %dma_start3A_96 = arith.constant 0 : i32
        %dma_start3A_97 = tpu.memref_slice %arg5[%run_scoped3A, %dma_start3A_94, %dma_start3A_95, %dma_start3A_96] : memref<2x2x2x128xi32, #tpu.memory_space<vmem>> -> memref<1x2x2x128xi32, #tpu.memory_space<vmem>>
        %dma_start3A_98 = tpu.memref_squeeze %dma_start3A_97 : memref<1x2x2x128xi32, #tpu.memory_space<vmem>> -> memref<2x2x128xi32, #tpu.memory_space<vmem>>
        %dma_start3A_99 = arith.constant 0 : i32
        %dma_start3A_100 = arith.constant 0 : i32
        %dma_start3A_101 = tpu.memref_slice %arg3[%select_n3A, %dma_start3A_99, %dma_start3A_100] : memref<2560x2x128xi32, #tpu.memory_space<hbm>> -> memref<2x2x128xi32, #tpu.memory_space<hbm>>
        %dma_start3A_102 = arith.constant 0 : i32
        %dma_start3A_103 = arith.constant 0 : i32
        %dma_start3A_104 = arith.constant 0 : i32
        %dma_start3A_105 = tpu.memref_slice %arg5[%run_scoped3A, %dma_start3A_102, %dma_start3A_103, %dma_start3A_104] : memref<2x2x2x128xi32, #tpu.memory_space<vmem>> -> memref<1x2x2x128xi32, #tpu.memory_space<vmem>>
        %dma_start3A_106 = tpu.memref_squeeze %dma_start3A_105 : memref<1x2x2x128xi32, #tpu.memory_space<vmem>> -> memref<2x2x128xi32, #tpu.memory_space<vmem>>
        %dma_start3A_107 = arith.constant 0 : i32
        %dma_start3A_108 = arith.constant 0 : i32
        %dma_start3A_109 = tpu.memref_slice %arg3[%select_n3A, %dma_start3A_107, %dma_start3A_108] : memref<2560x2x128xi32, #tpu.memory_space<hbm>> -> memref<2x2x128xi32, #tpu.memory_space<hbm>>
        tpu.enqueue_dma source(%dma_start3A_109 : memref<2x2x128xi32, #tpu.memory_space<hbm>>) target(%dma_start3A_106 : memref<2x2x128xi32, #tpu.memory_space<vmem>>) target_semaphore(%run_scoped3A_93 : memref<!tpu.dma_semaphore, #tpu.memory_space<semaphore_mem>>)
        %dma_wait3A = arith.constant 0 : i32
        %dma_wait3A_110 = arith.constant 0 : i32
        %dma_wait3A_111 = arith.constant 0 : i32
        %dma_wait3A_112 = tpu.memref_slice %arg5[%run_scoped3A, %dma_wait3A, %dma_wait3A_110, %dma_wait3A_111] : memref<2x2x2x128xi32, #tpu.memory_space<vmem>> -> memref<1x2x2x128xi32, #tpu.memory_space<vmem>>
        %dma_wait3A_113 = tpu.memref_squeeze %dma_wait3A_112 : memref<1x2x2x128xi32, #tpu.memory_space<vmem>> -> memref<2x2x128xi32, #tpu.memory_space<vmem>>
        %dma_wait3A_114 = arith.constant 0 : i32
        %dma_wait3A_115 = arith.constant 0 : i32
        %dma_wait3A_116 = tpu.memref_slice %arg3[%select_n3A, %dma_wait3A_114, %dma_wait3A_115] : memref<2560x2x128xi32, #tpu.memory_space<hbm>> -> memref<2x2x128xi32, #tpu.memory_space<hbm>>
        %dma_wait3A_117 = arith.constant 0 : i32
        %dma_wait3A_118 = arith.constant 0 : i32
        %dma_wait3A_119 = arith.constant 0 : i32
        %dma_wait3A_120 = tpu.memref_slice %arg5[%run_scoped3A, %dma_wait3A_117, %dma_wait3A_118, %dma_wait3A_119] : memref<2x2x2x128xi32, #tpu.memory_space<vmem>> -> memref<1x2x2x128xi32, #tpu.memory_space<vmem>>
        %dma_wait3A_121 = tpu.memref_squeeze %dma_wait3A_120 : memref<1x2x2x128xi32, #tpu.memory_space<vmem>> -> memref<2x2x128xi32, #tpu.memory_space<vmem>>
        %dma_wait3A_122 = arith.constant 0 : i32
        %dma_wait3A_123 = arith.constant 0 : i32
        %dma_wait3A_124 = tpu.memref_slice %arg3[%select_n3A, %dma_wait3A_122, %dma_wait3A_123] : memref<2560x2x128xi32, #tpu.memory_space<hbm>> -> memref<2x2x128xi32, #tpu.memory_space<hbm>>
        tpu.wait_dma2 semaphore(%run_scoped3A_93 : memref<!tpu.dma_semaphore, #tpu.memory_space<semaphore_mem>>) src(%dma_wait3A_124 : memref<2x2x128xi32, #tpu.memory_space<hbm>>) dst(%dma_wait3A_121 : memref<2x2x128xi32, #tpu.memory_space<vmem>>)
        tpu.yield
      }) : () -> ()
      %dma_start3A = arith.constant 0 : i32
      %dma_start3A_72 = arith.constant 0 : i32
      %dma_start3A_73 = arith.constant 0 : i32
      %dma_start3A_74 = arith.constant 0 : i32
      %dma_start3A_75 = arith.constant 0 : i32
      %dma_start3A_76 = arith.constant 0 : i32
      %dma_start3A_77 = tpu.memref_slice %arg6[%dma_start3A_74, %dma_start3A_75, %dma_start3A_76] : memref<2x128x128xf32, #tpu.memory_space<vmem>> -> memref<1x128x128xf32, #tpu.memory_space<vmem>>
      %dma_start3A_78 = tpu.memref_squeeze %dma_start3A_77 : memref<1x128x128xf32, #tpu.memory_space<vmem>> -> memref<128x128xf32, #tpu.memory_space<vmem>>
      %dma_start3A_79 = arith.constant 0 : i32
      %dma_start3A_80 = tpu.memref_slice %arg5[%dma_start3A, %dma_start3A_72, %dma_start3A_73, %dma_start3A_79] : memref<2x2x2x128xi32, #tpu.memory_space<vmem>> -> memref<1x1x1x128xi32, #tpu.memory_space<vmem>>
      %dma_start3A_81 = tpu.memref_squeeze %dma_start3A_80 : memref<1x1x1x128xi32, #tpu.memory_space<vmem>> -> memref<128xi32, #tpu.memory_space<vmem>>
      %dma_start3A_82 = arith.constant 0 : i32
      %dma_start3A_83 = arith.constant 0 : i32
      %dma_start3A_84 = tpu.memref_slice %arg2[%dma_start3A_82, %dma_start3A_83] : memref<10000x128xf32, #tpu.memory_space<hbm>> -> memref<10000x128xf32, #tpu.memory_space<hbm>>
      tpu.enqueue_indirect_dma source(%dma_start3A_84 : memref<10000x128xf32, #tpu.memory_space<hbm>>) target(%dma_start3A_78 : memref<128x128xf32, #tpu.memory_space<vmem>>) offsets(%dma_start3A_81 : memref<128xi32, #tpu.memory_space<vmem>>) semaphore(%arg10 : memref<!tpu.dma_semaphore, #tpu.memory_space<semaphore_mem>>)
      %dma_start3A_85 = arith.constant 1 : i32
      %dma_start3A_86 = arith.constant 0 : i32
      %dma_start3A_87 = arith.constant 0 : i32
      %dma_start3A_88 = tpu.memref_slice %arg6[%dma_start3A_85, %dma_start3A_86, %dma_start3A_87] : memref<2x128x128xf32, #tpu.memory_space<vmem>> -> memref<1x128x128xf32, #tpu.memory_space<vmem>>
      %dma_start3A_89 = tpu.memref_squeeze %dma_start3A_88 : memref<1x128x128xf32, #tpu.memory_space<vmem>> -> memref<128x128xf32, #tpu.memory_space<vmem>>
      %dma_start3A_90 = arith.constant 0 : i32
      %dma_start3A_91 = arith.constant 0 : i32
      %dma_start3A_92 = tpu.memref_slice %arg9[%dma_start3A_90, %dma_start3A_91] : memref<10112x128xf32, #tpu.memory_space<vmem_shared>> -> memref<10112x128xf32, #tpu.memory_space<vmem_shared>>
      tpu.enqueue_indirect_dma source(%dma_start3A_89 : memref<128x128xf32, #tpu.memory_space<vmem>>) target(%dma_start3A_92 : memref<10112x128xf32, #tpu.memory_space<vmem_shared>>) offsets(%arg8 : memref<128xi32, #tpu.memory_space<vmem>>) semaphore(%arg13 : memref<!tpu.dma_semaphore, #tpu.memory_space<semaphore_mem>>) {add = true}
    } else {
    }
    %barrier3A = arith.constant 0 : index
    tpu.barrier barrier_id(%barrier3A)
    %jit3A_32 = arith.constant 2 : i32
    "tpu.trace_start"() <{level = 10 : i32, message = "main_loop"}> : () -> ()
    %div3A = arith.divsi %select_n3A_8, %jit3A_32 : i32
    %sign3A = arith.constant 0 : i32
    %sign3A_33 = arith.cmpi sgt, %select_n3A_8, %sign3A : i32
    %sign3A_34 = arith.extui %sign3A_33 : i1 to i32
    %sign3A_35 = arith.constant 0 : i32
    %sign3A_36 = arith.cmpi slt, %select_n3A_8, %sign3A_35 : i32
    %sign3A_37 = arith.extui %sign3A_36 : i1 to i32
    %sign3A_38 = arith.subi %sign3A_34, %sign3A_37 : i32
    %sign3A_39 = arith.constant 0 : i32
    %sign3A_40 = arith.cmpi sgt, %jit3A_32, %sign3A_39 : i32
    %sign3A_41 = arith.extui %sign3A_40 : i1 to i32
    %sign3A_42 = arith.constant 0 : i32
    %sign3A_43 = arith.cmpi slt, %jit3A_32, %sign3A_42 : i32
    %sign3A_44 = arith.extui %sign3A_43 : i1 to i32
    %sign3A_45 = arith.subi %sign3A_41, %sign3A_44 : i32
    %ne3A = arith.cmpi ne, %sign3A_38, %sign3A_45 : i32
    %rem3A = arith.remsi %select_n3A_8, %jit3A_32 : i32
    %ne3A_46 = arith.constant 0 : i32
    %ne3A_47 = arith.cmpi ne, %rem3A, %ne3A_46 : i32
    %and3A = arith.andi %ne3A, %ne3A_47 : i1
    %sub3A = arith.constant 1 : i32
    %sub3A_48 = arith.subi %div3A, %sub3A : i32
    %select_n3A_49 = arith.select %and3A, %sub3A_48, %div3A : i32
    %while3A = arith.constant 0 : i32
    %while3A_50 = arith.constant 0 : i32
    %while3A_51 = arith.subi %select_n3A_49, %while3A_50 : i32
    %while3A_52 = arith.addi %while3A_50, %while3A_51 : i32
    %while3A_53 = arith.constant 1 : i32
    %while3A_54 = arith.divsi %while3A_51, %while3A_53 : i32
    %while3A_55 = arith.muli %while3A_54, %while3A_53 : i32
    %while3A_56 = arith.addi %while3A_50, %while3A_55 : i32
    %while3A_57 = arith.constant 1 : i32
    scf.for %while3A_72 = %while3A_50 to %while3A_56 step %while3A_57  : i32 {
      %mul3A_73 = arith.constant 2 : i32
      %mul3A_74 = arith.muli %while3A_72, %mul3A_73 : i32
      %add3A_75 = arith.constant 0 : i32
      %add3A_76 = arith.addi %mul3A_74, %add3A_75 : i32
      %mul3A_77 = arith.constant 2 : i32
      %mul3A_78 = arith.muli %add3A_76, %mul3A_77 : i32
      %add3A_79 = arith.addi %select_n3A, %mul3A_78 : i32
      %dma_wait3A = arith.constant 1 : i32
      %dma_wait3A_80 = arith.constant 0 : i32
      %dma_wait3A_81 = arith.constant 0 : i32
      %dma_wait3A_82 = tpu.memref_slice %arg6[%dma_wait3A, %dma_wait3A_80, %dma_wait3A_81] : memref<2x128x128xf32, #tpu.memory_space<vmem>> -> memref<1x128x128xf32, #tpu.memory_space<vmem>>
      %dma_wait3A_83 = tpu.memref_squeeze %dma_wait3A_82 : memref<1x128x128xf32, #tpu.memory_space<vmem>> -> memref<128x128xf32, #tpu.memory_space<vmem>>
      %dma_wait3A_84 = arith.constant 0 : i32
      %dma_wait3A_85 = arith.constant 0 : i32
      %dma_wait3A_86 = tpu.memref_slice %arg9[%dma_wait3A_84, %dma_wait3A_85] : memref<10112x128xf32, #tpu.memory_space<vmem_shared>> -> memref<10112x128xf32, #tpu.memory_space<vmem_shared>>
      tpu.wait_indirect_dma semaphore(%arg13 : memref<!tpu.dma_semaphore, #tpu.memory_space<semaphore_mem>>) src(%dma_wait3A_83 : memref<128x128xf32, #tpu.memory_space<vmem>>) dst(%dma_wait3A_86 : memref<10112x128xf32, #tpu.memory_space<vmem_shared>>)
      %sub3A_87 = arith.constant 1 : i32
      %sub3A_88 = arith.subi %select_n3A_8, %sub3A_87 : i32
      %lt3A = arith.cmpi slt, %add3A_76, %sub3A_88 : i32
      %convert_element_type3A_89 = arith.extui %lt3A : i1 to i32
      %cond3A_90 = arith.constant 0 : i32
      %cond3A_91 = arith.cmpi ne, %convert_element_type3A_89, %cond3A_90 : i32
      scf.if %cond3A_91 {
        %add3A_280 = arith.constant 2 : i32
        %add3A_281 = arith.addi %add3A_79, %add3A_280 : i32
        %run_scoped3A = arith.constant 1 : i32
        "tpu.region"() ({
          %run_scoped3A_282 = tpu.sem_alloc : memref<!tpu.dma_semaphore, #tpu.memory_space<semaphore_mem>>
          %dma_start3A_283 = arith.constant 0 : i32
          %dma_start3A_284 = arith.constant 0 : i32
          %dma_start3A_285 = arith.constant 0 : i32
          %dma_start3A_286 = tpu.memref_slice %arg5[%run_scoped3A, %dma_start3A_283, %dma_start3A_284, %dma_start3A_285] : memref<2x2x2x128xi32, #tpu.memory_space<vmem>> -> memref<1x2x2x128xi32, #tpu.memory_space<vmem>>
          %dma_start3A_287 = tpu.memref_squeeze %dma_start3A_286 : memref<1x2x2x128xi32, #tpu.memory_space<vmem>> -> memref<2x2x128xi32, #tpu.memory_space<vmem>>
          %dma_start3A_288 = arith.constant 0 : i32
          %dma_start3A_289 = arith.constant 0 : i32
          %dma_start3A_290 = tpu.memref_slice %arg3[%add3A_281, %dma_start3A_288, %dma_start3A_289] : memref<2560x2x128xi32, #tpu.memory_space<hbm>> -> memref<2x2x128xi32, #tpu.memory_space<hbm>>
          %dma_start3A_291 = arith.constant 0 : i32
          %dma_start3A_292 = arith.constant 0 : i32
          %dma_start3A_293 = arith.constant 0 : i32
          %dma_start3A_294 = tpu.memref_slice %arg5[%run_scoped3A, %dma_start3A_291, %dma_start3A_292, %dma_start3A_293] : memref<2x2x2x128xi32, #tpu.memory_space<vmem>> -> memref<1x2x2x128xi32, #tpu.memory_space<vmem>>
          %dma_start3A_295 = tpu.memref_squeeze %dma_start3A_294 : memref<1x2x2x128xi32, #tpu.memory_space<vmem>> -> memref<2x2x128xi32, #tpu.memory_space<vmem>>
          %dma_start3A_296 = arith.constant 0 : i32
          %dma_start3A_297 = arith.constant 0 : i32
          %dma_start3A_298 = tpu.memref_slice %arg3[%add3A_281, %dma_start3A_296, %dma_start3A_297] : memref<2560x2x128xi32, #tpu.memory_space<hbm>> -> memref<2x2x128xi32, #tpu.memory_space<hbm>>
          tpu.enqueue_dma source(%dma_start3A_298 : memref<2x2x128xi32, #tpu.memory_space<hbm>>) target(%dma_start3A_295 : memref<2x2x128xi32, #tpu.memory_space<vmem>>) target_semaphore(%run_scoped3A_282 : memref<!tpu.dma_semaphore, #tpu.memory_space<semaphore_mem>>)
          %dma_wait3A_299 = arith.constant 0 : i32
          %dma_wait3A_300 = arith.constant 0 : i32
          %dma_wait3A_301 = arith.constant 0 : i32
          %dma_wait3A_302 = tpu.memref_slice %arg5[%run_scoped3A, %dma_wait3A_299, %dma_wait3A_300, %dma_wait3A_301] : memref<2x2x2x128xi32, #tpu.memory_space<vmem>> -> memref<1x2x2x128xi32, #tpu.memory_space<vmem>>
          %dma_wait3A_303 = tpu.memref_squeeze %dma_wait3A_302 : memref<1x2x2x128xi32, #tpu.memory_space<vmem>> -> memref<2x2x128xi32, #tpu.memory_space<vmem>>
          %dma_wait3A_304 = arith.constant 0 : i32
          %dma_wait3A_305 = arith.constant 0 : i32
          %dma_wait3A_306 = tpu.memref_slice %arg3[%add3A_281, %dma_wait3A_304, %dma_wait3A_305] : memref<2560x2x128xi32, #tpu.memory_space<hbm>> -> memref<2x2x128xi32, #tpu.memory_space<hbm>>
          %dma_wait3A_307 = arith.constant 0 : i32
          %dma_wait3A_308 = arith.constant 0 : i32
          %dma_wait3A_309 = arith.constant 0 : i32
          %dma_wait3A_310 = tpu.memref_slice %arg5[%run_scoped3A, %dma_wait3A_307, %dma_wait3A_308, %dma_wait3A_309] : memref<2x2x2x128xi32, #tpu.memory_space<vmem>> -> memref<1x2x2x128xi32, #tpu.memory_space<vmem>>
          %dma_wait3A_311 = tpu.memref_squeeze %dma_wait3A_310 : memref<1x2x2x128xi32, #tpu.memory_space<vmem>> -> memref<2x2x128xi32, #tpu.memory_space<vmem>>
          %dma_wait3A_312 = arith.constant 0 : i32
          %dma_wait3A_313 = arith.constant 0 : i32
          %dma_wait3A_314 = tpu.memref_slice %arg3[%add3A_281, %dma_wait3A_312, %dma_wait3A_313] : memref<2560x2x128xi32, #tpu.memory_space<hbm>> -> memref<2x2x128xi32, #tpu.memory_space<hbm>>
          tpu.wait_dma2 semaphore(%run_scoped3A_282 : memref<!tpu.dma_semaphore, #tpu.memory_space<semaphore_mem>>) src(%dma_wait3A_314 : memref<2x2x128xi32, #tpu.memory_space<hbm>>) dst(%dma_wait3A_311 : memref<2x2x128xi32, #tpu.memory_space<vmem>>)
          tpu.yield
        }) : () -> ()
      } else {
      }
      %dma_start3A = arith.constant 0 : i32
      %dma_start3A_92 = arith.constant 1 : i32
      %dma_start3A_93 = arith.constant 0 : i32
      %dma_start3A_94 = arith.constant 1 : i32
      %dma_start3A_95 = arith.constant 0 : i32
      %dma_start3A_96 = arith.constant 0 : i32
      %dma_start3A_97 = tpu.memref_slice %arg6[%dma_start3A_94, %dma_start3A_95, %dma_start3A_96] : memref<2x128x128xf32, #tpu.memory_space<vmem>> -> memref<1x128x128xf32, #tpu.memory_space<vmem>>
      %dma_start3A_98 = tpu.memref_squeeze %dma_start3A_97 : memref<1x128x128xf32, #tpu.memory_space<vmem>> -> memref<128x128xf32, #tpu.memory_space<vmem>>
      %dma_start3A_99 = arith.constant 0 : i32
      %dma_start3A_100 = tpu.memref_slice %arg5[%dma_start3A, %dma_start3A_92, %dma_start3A_93, %dma_start3A_99] : memref<2x2x2x128xi32, #tpu.memory_space<vmem>> -> memref<1x1x1x128xi32, #tpu.memory_space<vmem>>
      %dma_start3A_101 = tpu.memref_squeeze %dma_start3A_100 : memref<1x1x1x128xi32, #tpu.memory_space<vmem>> -> memref<128xi32, #tpu.memory_space<vmem>>
      %dma_start3A_102 = arith.constant 0 : i32
      %dma_start3A_103 = arith.constant 0 : i32
      %dma_start3A_104 = tpu.memref_slice %arg2[%dma_start3A_102, %dma_start3A_103] : memref<10000x128xf32, #tpu.memory_space<hbm>> -> memref<10000x128xf32, #tpu.memory_space<hbm>>
      tpu.enqueue_indirect_dma source(%dma_start3A_104 : memref<10000x128xf32, #tpu.memory_space<hbm>>) target(%dma_start3A_98 : memref<128x128xf32, #tpu.memory_space<vmem>>) offsets(%dma_start3A_101 : memref<128xi32, #tpu.memory_space<vmem>>) semaphore(%arg11 : memref<!tpu.dma_semaphore, #tpu.memory_space<semaphore_mem>>)
      %dma_wait3A_105 = arith.constant 0 : i32
      %dma_wait3A_106 = arith.constant 0 : i32
      %dma_wait3A_107 = arith.constant 0 : i32
      %dma_wait3A_108 = arith.constant 0 : i32
      %dma_wait3A_109 = arith.constant 0 : i32
      %dma_wait3A_110 = arith.constant 0 : i32
      %dma_wait3A_111 = tpu.memref_slice %arg6[%dma_wait3A_108, %dma_wait3A_109, %dma_wait3A_110] : memref<2x128x128xf32, #tpu.memory_space<vmem>> -> memref<1x128x128xf32, #tpu.memory_space<vmem>>
      %dma_wait3A_112 = tpu.memref_squeeze %dma_wait3A_111 : memref<1x128x128xf32, #tpu.memory_space<vmem>> -> memref<128x128xf32, #tpu.memory_space<vmem>>
      %dma_wait3A_113 = arith.constant 0 : i32
      %dma_wait3A_114 = tpu.memref_slice %arg5[%dma_wait3A_105, %dma_wait3A_106, %dma_wait3A_107, %dma_wait3A_113] : memref<2x2x2x128xi32, #tpu.memory_space<vmem>> -> memref<1x1x1x128xi32, #tpu.memory_space<vmem>>
      %dma_wait3A_115 = tpu.memref_squeeze %dma_wait3A_114 : memref<1x1x1x128xi32, #tpu.memory_space<vmem>> -> memref<128xi32, #tpu.memory_space<vmem>>
      %dma_wait3A_116 = arith.constant 0 : i32
      %dma_wait3A_117 = arith.constant 0 : i32
      %dma_wait3A_118 = tpu.memref_slice %arg2[%dma_wait3A_116, %dma_wait3A_117] : memref<10000x128xf32, #tpu.memory_space<hbm>> -> memref<10000x128xf32, #tpu.memory_space<hbm>>
      tpu.wait_indirect_dma semaphore(%arg10 : memref<!tpu.dma_semaphore, #tpu.memory_space<semaphore_mem>>) src(%dma_wait3A_118 : memref<10000x128xf32, #tpu.memory_space<hbm>>) dst(%dma_wait3A_112 : memref<128x128xf32, #tpu.memory_space<vmem>>)
      %dma_start3A_119 = arith.constant 0 : i32
      %dma_start3A_120 = arith.constant 0 : i32
      %dma_start3A_121 = arith.constant 0 : i32
      %dma_start3A_122 = arith.constant 1 : i32
      %dma_start3A_123 = arith.constant 0 : i32
      %dma_start3A_124 = arith.constant 0 : i32
      %dma_start3A_125 = tpu.memref_slice %arg6[%dma_start3A_119, %dma_start3A_123, %dma_start3A_124] : memref<2x128x128xf32, #tpu.memory_space<vmem>> -> memref<1x128x128xf32, #tpu.memory_space<vmem>>
      %dma_start3A_126 = tpu.memref_squeeze %dma_start3A_125 : memref<1x128x128xf32, #tpu.memory_space<vmem>> -> memref<128x128xf32, #tpu.memory_space<vmem>>
      %dma_start3A_127 = arith.constant 0 : i32
      %dma_start3A_128 = tpu.memref_slice %arg5[%dma_start3A_120, %dma_start3A_121, %dma_start3A_122, %dma_start3A_127] : memref<2x2x2x128xi32, #tpu.memory_space<vmem>> -> memref<1x1x1x128xi32, #tpu.memory_space<vmem>>
      %dma_start3A_129 = tpu.memref_squeeze %dma_start3A_128 : memref<1x1x1x128xi32, #tpu.memory_space<vmem>> -> memref<128xi32, #tpu.memory_space<vmem>>
      %dma_start3A_130 = arith.constant 0 : i32
      %dma_start3A_131 = arith.constant 0 : i32
      %dma_start3A_132 = tpu.memref_slice %arg9[%dma_start3A_130, %dma_start3A_131] : memref<10112x128xf32, #tpu.memory_space<vmem_shared>> -> memref<10112x128xf32, #tpu.memory_space<vmem_shared>>
      tpu.enqueue_indirect_dma source(%dma_start3A_126 : memref<128x128xf32, #tpu.memory_space<vmem>>) target(%dma_start3A_132 : memref<10112x128xf32, #tpu.memory_space<vmem_shared>>) offsets(%dma_start3A_129 : memref<128xi32, #tpu.memory_space<vmem>>) semaphore(%arg12 : memref<!tpu.dma_semaphore, #tpu.memory_space<semaphore_mem>>) {add = true}
      %dma_wait3A_133 = arith.constant 0 : i32
      %dma_wait3A_134 = arith.constant 0 : i32
      %dma_wait3A_135 = arith.constant 0 : i32
      %dma_wait3A_136 = tpu.memref_slice %arg6[%dma_wait3A_133, %dma_wait3A_134, %dma_wait3A_135] : memref<2x128x128xf32, #tpu.memory_space<vmem>> -> memref<1x128x128xf32, #tpu.memory_space<vmem>>
      %dma_wait3A_137 = tpu.memref_squeeze %dma_wait3A_136 : memref<1x128x128xf32, #tpu.memory_space<vmem>> -> memref<128x128xf32, #tpu.memory_space<vmem>>
      %dma_wait3A_138 = arith.constant 0 : i32
      %dma_wait3A_139 = arith.constant 0 : i32
      %dma_wait3A_140 = tpu.memref_slice %arg9[%dma_wait3A_138, %dma_wait3A_139] : memref<10112x128xf32, #tpu.memory_space<vmem_shared>> -> memref<10112x128xf32, #tpu.memory_space<vmem_shared>>
      tpu.wait_indirect_dma semaphore(%arg12 : memref<!tpu.dma_semaphore, #tpu.memory_space<semaphore_mem>>) src(%dma_wait3A_137 : memref<128x128xf32, #tpu.memory_space<vmem>>) dst(%dma_wait3A_140 : memref<10112x128xf32, #tpu.memory_space<vmem_shared>>)
      %sub3A_141 = arith.constant 1 : i32
      %sub3A_142 = arith.subi %select_n3A_8, %sub3A_141 : i32
      %lt3A_143 = arith.cmpi slt, %add3A_76, %sub3A_142 : i32
      %convert_element_type3A_144 = arith.extui %lt3A_143 : i1 to i32
      %cond3A_145 = arith.constant 0 : i32
      %cond3A_146 = arith.cmpi ne, %convert_element_type3A_144, %cond3A_145 : i32
      scf.if %cond3A_146 {
        %dma_start3A_280 = arith.constant 1 : i32
        %dma_start3A_281 = arith.constant 0 : i32
        %dma_start3A_282 = arith.constant 0 : i32
        %dma_start3A_283 = arith.constant 0 : i32
        %dma_start3A_284 = arith.constant 0 : i32
        %dma_start3A_285 = arith.constant 0 : i32
        %dma_start3A_286 = tpu.memref_slice %arg6[%dma_start3A_283, %dma_start3A_284, %dma_start3A_285] : memref<2x128x128xf32, #tpu.memory_space<vmem>> -> memref<1x128x128xf32, #tpu.memory_space<vmem>>
        %dma_start3A_287 = tpu.memref_squeeze %dma_start3A_286 : memref<1x128x128xf32, #tpu.memory_space<vmem>> -> memref<128x128xf32, #tpu.memory_space<vmem>>
        %dma_start3A_288 = arith.constant 0 : i32
        %dma_start3A_289 = tpu.memref_slice %arg5[%dma_start3A_280, %dma_start3A_281, %dma_start3A_282, %dma_start3A_288] : memref<2x2x2x128xi32, #tpu.memory_space<vmem>> -> memref<1x1x1x128xi32, #tpu.memory_space<vmem>>
        %dma_start3A_290 = tpu.memref_squeeze %dma_start3A_289 : memref<1x1x1x128xi32, #tpu.memory_space<vmem>> -> memref<128xi32, #tpu.memory_space<vmem>>
        %dma_start3A_291 = arith.constant 0 : i32
        %dma_start3A_292 = arith.constant 0 : i32
        %dma_start3A_293 = tpu.memref_slice %arg2[%dma_start3A_291, %dma_start3A_292] : memref<10000x128xf32, #tpu.memory_space<hbm>> -> memref<10000x128xf32, #tpu.memory_space<hbm>>
        tpu.enqueue_indirect_dma source(%dma_start3A_293 : memref<10000x128xf32, #tpu.memory_space<hbm>>) target(%dma_start3A_287 : memref<128x128xf32, #tpu.memory_space<vmem>>) offsets(%dma_start3A_290 : memref<128xi32, #tpu.memory_space<vmem>>) semaphore(%arg10 : memref<!tpu.dma_semaphore, #tpu.memory_space<semaphore_mem>>)
      } else {
      }
      %dma_wait3A_147 = arith.constant 0 : i32
      %dma_wait3A_148 = arith.constant 1 : i32
      %dma_wait3A_149 = arith.constant 0 : i32
      %dma_wait3A_150 = arith.constant 1 : i32
      %dma_wait3A_151 = arith.constant 0 : i32
      %dma_wait3A_152 = arith.constant 0 : i32
      %dma_wait3A_153 = tpu.memref_slice %arg6[%dma_wait3A_150, %dma_wait3A_151, %dma_wait3A_152] : memref<2x128x128xf32, #tpu.memory_space<vmem>> -> memref<1x128x128xf32, #tpu.memory_space<vmem>>
      %dma_wait3A_154 = tpu.memref_squeeze %dma_wait3A_153 : memref<1x128x128xf32, #tpu.memory_space<vmem>> -> memref<128x128xf32, #tpu.memory_space<vmem>>
      %dma_wait3A_155 = arith.constant 0 : i32
      %dma_wait3A_156 = tpu.memref_slice %arg5[%dma_wait3A_147, %dma_wait3A_148, %dma_wait3A_149, %dma_wait3A_155] : memref<2x2x2x128xi32, #tpu.memory_space<vmem>> -> memref<1x1x1x128xi32, #tpu.memory_space<vmem>>
      %dma_wait3A_157 = tpu.memref_squeeze %dma_wait3A_156 : memref<1x1x1x128xi32, #tpu.memory_space<vmem>> -> memref<128xi32, #tpu.memory_space<vmem>>
      %dma_wait3A_158 = arith.constant 0 : i32
      %dma_wait3A_159 = arith.constant 0 : i32
      %dma_wait3A_160 = tpu.memref_slice %arg2[%dma_wait3A_158, %dma_wait3A_159] : memref<10000x128xf32, #tpu.memory_space<hbm>> -> memref<10000x128xf32, #tpu.memory_space<hbm>>
      tpu.wait_indirect_dma semaphore(%arg11 : memref<!tpu.dma_semaphore, #tpu.memory_space<semaphore_mem>>) src(%dma_wait3A_160 : memref<10000x128xf32, #tpu.memory_space<hbm>>) dst(%dma_wait3A_154 : memref<128x128xf32, #tpu.memory_space<vmem>>)
      %dma_start3A_161 = arith.constant 1 : i32
      %dma_start3A_162 = arith.constant 0 : i32
      %dma_start3A_163 = arith.constant 1 : i32
      %dma_start3A_164 = arith.constant 1 : i32
      %dma_start3A_165 = arith.constant 0 : i32
      %dma_start3A_166 = arith.constant 0 : i32
      %dma_start3A_167 = tpu.memref_slice %arg6[%dma_start3A_161, %dma_start3A_165, %dma_start3A_166] : memref<2x128x128xf32, #tpu.memory_space<vmem>> -> memref<1x128x128xf32, #tpu.memory_space<vmem>>
      %dma_start3A_168 = tpu.memref_squeeze %dma_start3A_167 : memref<1x128x128xf32, #tpu.memory_space<vmem>> -> memref<128x128xf32, #tpu.memory_space<vmem>>
      %dma_start3A_169 = arith.constant 0 : i32
      %dma_start3A_170 = tpu.memref_slice %arg5[%dma_start3A_162, %dma_start3A_163, %dma_start3A_164, %dma_start3A_169] : memref<2x2x2x128xi32, #tpu.memory_space<vmem>> -> memref<1x1x1x128xi32, #tpu.memory_space<vmem>>
      %dma_start3A_171 = tpu.memref_squeeze %dma_start3A_170 : memref<1x1x1x128xi32, #tpu.memory_space<vmem>> -> memref<128xi32, #tpu.memory_space<vmem>>
      %dma_start3A_172 = arith.constant 0 : i32
      %dma_start3A_173 = arith.constant 0 : i32
      %dma_start3A_174 = tpu.memref_slice %arg9[%dma_start3A_172, %dma_start3A_173] : memref<10112x128xf32, #tpu.memory_space<vmem_shared>> -> memref<10112x128xf32, #tpu.memory_space<vmem_shared>>
      tpu.enqueue_indirect_dma source(%dma_start3A_168 : memref<128x128xf32, #tpu.memory_space<vmem>>) target(%dma_start3A_174 : memref<10112x128xf32, #tpu.memory_space<vmem_shared>>) offsets(%dma_start3A_171 : memref<128xi32, #tpu.memory_space<vmem>>) semaphore(%arg13 : memref<!tpu.dma_semaphore, #tpu.memory_space<semaphore_mem>>) {add = true}
      %mul3A_175 = arith.constant 2 : i32
      %mul3A_176 = arith.muli %while3A_72, %mul3A_175 : i32
      %add3A_177 = arith.constant 1 : i32
      %add3A_178 = arith.addi %mul3A_176, %add3A_177 : i32
      %mul3A_179 = arith.constant 2 : i32
      %mul3A_180 = arith.muli %add3A_178, %mul3A_179 : i32
      %add3A_181 = arith.addi %select_n3A, %mul3A_180 : i32
      %dma_wait3A_182 = arith.constant 1 : i32
      %dma_wait3A_183 = arith.constant 0 : i32
      %dma_wait3A_184 = arith.constant 0 : i32
      %dma_wait3A_185 = tpu.memref_slice %arg6[%dma_wait3A_182, %dma_wait3A_183, %dma_wait3A_184] : memref<2x128x128xf32, #tpu.memory_space<vmem>> -> memref<1x128x128xf32, #tpu.memory_space<vmem>>
      %dma_wait3A_186 = tpu.memref_squeeze %dma_wait3A_185 : memref<1x128x128xf32, #tpu.memory_space<vmem>> -> memref<128x128xf32, #tpu.memory_space<vmem>>
      %dma_wait3A_187 = arith.constant 0 : i32
      %dma_wait3A_188 = arith.constant 0 : i32
      %dma_wait3A_189 = tpu.memref_slice %arg9[%dma_wait3A_187, %dma_wait3A_188] : memref<10112x128xf32, #tpu.memory_space<vmem_shared>> -> memref<10112x128xf32, #tpu.memory_space<vmem_shared>>
      tpu.wait_indirect_dma semaphore(%arg13 : memref<!tpu.dma_semaphore, #tpu.memory_space<semaphore_mem>>) src(%dma_wait3A_186 : memref<128x128xf32, #tpu.memory_space<vmem>>) dst(%dma_wait3A_189 : memref<10112x128xf32, #tpu.memory_space<vmem_shared>>)
      %sub3A_190 = arith.constant 1 : i32
      %sub3A_191 = arith.subi %select_n3A_8, %sub3A_190 : i32
      %lt3A_192 = arith.cmpi slt, %add3A_178, %sub3A_191 : i32
      %convert_element_type3A_193 = arith.extui %lt3A_192 : i1 to i32
      %cond3A_194 = arith.constant 0 : i32
      %cond3A_195 = arith.cmpi ne, %convert_element_type3A_193, %cond3A_194 : i32
      scf.if %cond3A_195 {
        %add3A_280 = arith.constant 2 : i32
        %add3A_281 = arith.addi %add3A_181, %add3A_280 : i32
        %run_scoped3A = arith.constant 0 : i32
        "tpu.region"() ({
          %run_scoped3A_282 = tpu.sem_alloc : memref<!tpu.dma_semaphore, #tpu.memory_space<semaphore_mem>>
          %dma_start3A_283 = arith.constant 0 : i32
          %dma_start3A_284 = arith.constant 0 : i32
          %dma_start3A_285 = arith.constant 0 : i32
          %dma_start3A_286 = tpu.memref_slice %arg5[%run_scoped3A, %dma_start3A_283, %dma_start3A_284, %dma_start3A_285] : memref<2x2x2x128xi32, #tpu.memory_space<vmem>> -> memref<1x2x2x128xi32, #tpu.memory_space<vmem>>
          %dma_start3A_287 = tpu.memref_squeeze %dma_start3A_286 : memref<1x2x2x128xi32, #tpu.memory_space<vmem>> -> memref<2x2x128xi32, #tpu.memory_space<vmem>>
          %dma_start3A_288 = arith.constant 0 : i32
          %dma_start3A_289 = arith.constant 0 : i32
          %dma_start3A_290 = tpu.memref_slice %arg3[%add3A_281, %dma_start3A_288, %dma_start3A_289] : memref<2560x2x128xi32, #tpu.memory_space<hbm>> -> memref<2x2x128xi32, #tpu.memory_space<hbm>>
          %dma_start3A_291 = arith.constant 0 : i32
          %dma_start3A_292 = arith.constant 0 : i32
          %dma_start3A_293 = arith.constant 0 : i32
          %dma_start3A_294 = tpu.memref_slice %arg5[%run_scoped3A, %dma_start3A_291, %dma_start3A_292, %dma_start3A_293] : memref<2x2x2x128xi32, #tpu.memory_space<vmem>> -> memref<1x2x2x128xi32, #tpu.memory_space<vmem>>
          %dma_start3A_295 = tpu.memref_squeeze %dma_start3A_294 : memref<1x2x2x128xi32, #tpu.memory_space<vmem>> -> memref<2x2x128xi32, #tpu.memory_space<vmem>>
          %dma_start3A_296 = arith.constant 0 : i32
          %dma_start3A_297 = arith.constant 0 : i32
          %dma_start3A_298 = tpu.memref_slice %arg3[%add3A_281, %dma_start3A_296, %dma_start3A_297] : memref<2560x2x128xi32, #tpu.memory_space<hbm>> -> memref<2x2x128xi32, #tpu.memory_space<hbm>>
          tpu.enqueue_dma source(%dma_start3A_298 : memref<2x2x128xi32, #tpu.memory_space<hbm>>) target(%dma_start3A_295 : memref<2x2x128xi32, #tpu.memory_space<vmem>>) target_semaphore(%run_scoped3A_282 : memref<!tpu.dma_semaphore, #tpu.memory_space<semaphore_mem>>)
          %dma_wait3A_299 = arith.constant 0 : i32
          %dma_wait3A_300 = arith.constant 0 : i32
          %dma_wait3A_301 = arith.constant 0 : i32
          %dma_wait3A_302 = tpu.memref_slice %arg5[%run_scoped3A, %dma_wait3A_299, %dma_wait3A_300, %dma_wait3A_301] : memref<2x2x2x128xi32, #tpu.memory_space<vmem>> -> memref<1x2x2x128xi32, #tpu.memory_space<vmem>>
          %dma_wait3A_303 = tpu.memref_squeeze %dma_wait3A_302 : memref<1x2x2x128xi32, #tpu.memory_space<vmem>> -> memref<2x2x128xi32, #tpu.memory_space<vmem>>
          %dma_wait3A_304 = arith.constant 0 : i32
          %dma_wait3A_305 = arith.constant 0 : i32
          %dma_wait3A_306 = tpu.memref_slice %arg3[%add3A_281, %dma_wait3A_304, %dma_wait3A_305] : memref<2560x2x128xi32, #tpu.memory_space<hbm>> -> memref<2x2x128xi32, #tpu.memory_space<hbm>>
          %dma_wait3A_307 = arith.constant 0 : i32
          %dma_wait3A_308 = arith.constant 0 : i32
          %dma_wait3A_309 = arith.constant 0 : i32
          %dma_wait3A_310 = tpu.memref_slice %arg5[%run_scoped3A, %dma_wait3A_307, %dma_wait3A_308, %dma_wait3A_309] : memref<2x2x2x128xi32, #tpu.memory_space<vmem>> -> memref<1x2x2x128xi32, #tpu.memory_space<vmem>>
          %dma_wait3A_311 = tpu.memref_squeeze %dma_wait3A_310 : memref<1x2x2x128xi32, #tpu.memory_space<vmem>> -> memref<2x2x128xi32, #tpu.memory_space<vmem>>
          %dma_wait3A_312 = arith.constant 0 : i32
          %dma_wait3A_313 = arith.constant 0 : i32
          %dma_wait3A_314 = tpu.memref_slice %arg3[%add3A_281, %dma_wait3A_312, %dma_wait3A_313] : memref<2560x2x128xi32, #tpu.memory_space<hbm>> -> memref<2x2x128xi32, #tpu.memory_space<hbm>>
          tpu.wait_dma2 semaphore(%run_scoped3A_282 : memref<!tpu.dma_semaphore, #tpu.memory_space<semaphore_mem>>) src(%dma_wait3A_314 : memref<2x2x128xi32, #tpu.memory_space<hbm>>) dst(%dma_wait3A_311 : memref<2x2x128xi32, #tpu.memory_space<vmem>>)
          tpu.yield
        }) : () -> ()
      } else {
      }
      %dma_start3A_196 = arith.constant 1 : i32
      %dma_start3A_197 = arith.constant 1 : i32
      %dma_start3A_198 = arith.constant 0 : i32
      %dma_start3A_199 = arith.constant 1 : i32
      %dma_start3A_200 = arith.constant 0 : i32
      %dma_start3A_201 = arith.constant 0 : i32
      %dma_start3A_202 = tpu.memref_slice %arg6[%dma_start3A_199, %dma_start3A_200, %dma_start3A_201] : memref<2x128x128xf32, #tpu.memory_space<vmem>> -> memref<1x128x128xf32, #tpu.memory_space<vmem>>
      %dma_start3A_203 = tpu.memref_squeeze %dma_start3A_202 : memref<1x128x128xf32, #tpu.memory_space<vmem>> -> memref<128x128xf32, #tpu.memory_space<vmem>>
      %dma_start3A_204 = arith.constant 0 : i32
      %dma_start3A_205 = tpu.memref_slice %arg5[%dma_start3A_196, %dma_start3A_197, %dma_start3A_198, %dma_start3A_204] : memref<2x2x2x128xi32, #tpu.memory_space<vmem>> -> memref<1x1x1x128xi32, #tpu.memory_space<vmem>>
      %dma_start3A_206 = tpu.memref_squeeze %dma_start3A_205 : memref<1x1x1x128xi32, #tpu.memory_space<vmem>> -> memref<128xi32, #tpu.memory_space<vmem>>
      %dma_start3A_207 = arith.constant 0 : i32
      %dma_start3A_208 = arith.constant 0 : i32
      %dma_start3A_209 = tpu.memref_slice %arg2[%dma_start3A_207, %dma_start3A_208] : memref<10000x128xf32, #tpu.memory_space<hbm>> -> memref<10000x128xf32, #tpu.memory_space<hbm>>
      tpu.enqueue_indirect_dma source(%dma_start3A_209 : memref<10000x128xf32, #tpu.memory_space<hbm>>) target(%dma_start3A_203 : memref<128x128xf32, #tpu.memory_space<vmem>>) offsets(%dma_start3A_206 : memref<128xi32, #tpu.memory_space<vmem>>) semaphore(%arg11 : memref<!tpu.dma_semaphore, #tpu.memory_space<semaphore_mem>>)
      %dma_wait3A_210 = arith.constant 1 : i32
      %dma_wait3A_211 = arith.constant 0 : i32
      %dma_wait3A_212 = arith.constant 0 : i32
      %dma_wait3A_213 = arith.constant 0 : i32
      %dma_wait3A_214 = arith.constant 0 : i32
      %dma_wait3A_215 = arith.constant 0 : i32
      %dma_wait3A_216 = tpu.memref_slice %arg6[%dma_wait3A_213, %dma_wait3A_214, %dma_wait3A_215] : memref<2x128x128xf32, #tpu.memory_space<vmem>> -> memref<1x128x128xf32, #tpu.memory_space<vmem>>
      %dma_wait3A_217 = tpu.memref_squeeze %dma_wait3A_216 : memref<1x128x128xf32, #tpu.memory_space<vmem>> -> memref<128x128xf32, #tpu.memory_space<vmem>>
      %dma_wait3A_218 = arith.constant 0 : i32
      %dma_wait3A_219 = tpu.memref_slice %arg5[%dma_wait3A_210, %dma_wait3A_211, %dma_wait3A_212, %dma_wait3A_218] : memref<2x2x2x128xi32, #tpu.memory_space<vmem>> -> memref<1x1x1x128xi32, #tpu.memory_space<vmem>>
      %dma_wait3A_220 = tpu.memref_squeeze %dma_wait3A_219 : memref<1x1x1x128xi32, #tpu.memory_space<vmem>> -> memref<128xi32, #tpu.memory_space<vmem>>
      %dma_wait3A_221 = arith.constant 0 : i32
      %dma_wait3A_222 = arith.constant 0 : i32
      %dma_wait3A_223 = tpu.memref_slice %arg2[%dma_wait3A_221, %dma_wait3A_222] : memref<10000x128xf32, #tpu.memory_space<hbm>> -> memref<10000x128xf32, #tpu.memory_space<hbm>>
      tpu.wait_indirect_dma semaphore(%arg10 : memref<!tpu.dma_semaphore, #tpu.memory_space<semaphore_mem>>) src(%dma_wait3A_223 : memref<10000x128xf32, #tpu.memory_space<hbm>>) dst(%dma_wait3A_217 : memref<128x128xf32, #tpu.memory_space<vmem>>)
      %dma_start3A_224 = arith.constant 0 : i32
      %dma_start3A_225 = arith.constant 1 : i32
      %dma_start3A_226 = arith.constant 0 : i32
      %dma_start3A_227 = arith.constant 1 : i32
      %dma_start3A_228 = arith.constant 0 : i32
      %dma_start3A_229 = arith.constant 0 : i32
      %dma_start3A_230 = tpu.memref_slice %arg6[%dma_start3A_224, %dma_start3A_228, %dma_start3A_229] : memref<2x128x128xf32, #tpu.memory_space<vmem>> -> memref<1x128x128xf32, #tpu.memory_space<vmem>>
      %dma_start3A_231 = tpu.memref_squeeze %dma_start3A_230 : memref<1x128x128xf32, #tpu.memory_space<vmem>> -> memref<128x128xf32, #tpu.memory_space<vmem>>
      %dma_start3A_232 = arith.constant 0 : i32
      %dma_start3A_233 = tpu.memref_slice %arg5[%dma_start3A_225, %dma_start3A_226, %dma_start3A_227, %dma_start3A_232] : memref<2x2x2x128xi32, #tpu.memory_space<vmem>> -> memref<1x1x1x128xi32, #tpu.memory_space<vmem>>
      %dma_start3A_234 = tpu.memref_squeeze %dma_start3A_233 : memref<1x1x1x128xi32, #tpu.memory_space<vmem>> -> memref<128xi32, #tpu.memory_space<vmem>>
      %dma_start3A_235 = arith.constant 0 : i32
      %dma_start3A_236 = arith.constant 0 : i32
      %dma_start3A_237 = tpu.memref_slice %arg9[%dma_start3A_235, %dma_start3A_236] : memref<10112x128xf32, #tpu.memory_space<vmem_shared>> -> memref<10112x128xf32, #tpu.memory_space<vmem_shared>>
      tpu.enqueue_indirect_dma source(%dma_start3A_231 : memref<128x128xf32, #tpu.memory_space<vmem>>) target(%dma_start3A_237 : memref<10112x128xf32, #tpu.memory_space<vmem_shared>>) offsets(%dma_start3A_234 : memref<128xi32, #tpu.memory_space<vmem>>) semaphore(%arg12 : memref<!tpu.dma_semaphore, #tpu.memory_space<semaphore_mem>>) {add = true}
      %dma_wait3A_238 = arith.constant 0 : i32
      %dma_wait3A_239 = arith.constant 0 : i32
      %dma_wait3A_240 = arith.constant 0 : i32
      %dma_wait3A_241 = tpu.memref_slice %arg6[%dma_wait3A_238, %dma_wait3A_239, %dma_wait3A_240] : memref<2x128x128xf32, #tpu.memory_space<vmem>> -> memref<1x128x128xf32, #tpu.memory_space<vmem>>
      %dma_wait3A_242 = tpu.memref_squeeze %dma_wait3A_241 : memref<1x128x128xf32, #tpu.memory_space<vmem>> -> memref<128x128xf32, #tpu.memory_space<vmem>>
      %dma_wait3A_243 = arith.constant 0 : i32
      %dma_wait3A_244 = arith.constant 0 : i32
      %dma_wait3A_245 = tpu.memref_slice %arg9[%dma_wait3A_243, %dma_wait3A_244] : memref<10112x128xf32, #tpu.memory_space<vmem_shared>> -> memref<10112x128xf32, #tpu.memory_space<vmem_shared>>
      tpu.wait_indirect_dma semaphore(%arg12 : memref<!tpu.dma_semaphore, #tpu.memory_space<semaphore_mem>>) src(%dma_wait3A_242 : memref<128x128xf32, #tpu.memory_space<vmem>>) dst(%dma_wait3A_245 : memref<10112x128xf32, #tpu.memory_space<vmem_shared>>)
      %sub3A_246 = arith.constant 1 : i32
      %sub3A_247 = arith.subi %select_n3A_8, %sub3A_246 : i32
      %lt3A_248 = arith.cmpi slt, %add3A_178, %sub3A_247 : i32
      %convert_element_type3A_249 = arith.extui %lt3A_248 : i1 to i32
      %cond3A_250 = arith.constant 0 : i32
      %cond3A_251 = arith.cmpi ne, %convert_element_type3A_249, %cond3A_250 : i32
      scf.if %cond3A_251 {
        %dma_start3A_280 = arith.constant 0 : i32
        %dma_start3A_281 = arith.constant 0 : i32
        %dma_start3A_282 = arith.constant 0 : i32
        %dma_start3A_283 = arith.constant 0 : i32
        %dma_start3A_284 = arith.constant 0 : i32
        %dma_start3A_285 = arith.constant 0 : i32
        %dma_start3A_286 = tpu.memref_slice %arg6[%dma_start3A_283, %dma_start3A_284, %dma_start3A_285] : memref<2x128x128xf32, #tpu.memory_space<vmem>> -> memref<1x128x128xf32, #tpu.memory_space<vmem>>
        %dma_start3A_287 = tpu.memref_squeeze %dma_start3A_286 : memref<1x128x128xf32, #tpu.memory_space<vmem>> -> memref<128x128xf32, #tpu.memory_space<vmem>>
        %dma_start3A_288 = arith.constant 0 : i32
        %dma_start3A_289 = tpu.memref_slice %arg5[%dma_start3A_280, %dma_start3A_281, %dma_start3A_282, %dma_start3A_288] : memref<2x2x2x128xi32, #tpu.memory_space<vmem>> -> memref<1x1x1x128xi32, #tpu.memory_space<vmem>>
        %dma_start3A_290 = tpu.memref_squeeze %dma_start3A_289 : memref<1x1x1x128xi32, #tpu.memory_space<vmem>> -> memref<128xi32, #tpu.memory_space<vmem>>
        %dma_start3A_291 = arith.constant 0 : i32
        %dma_start3A_292 = arith.constant 0 : i32
        %dma_start3A_293 = tpu.memref_slice %arg2[%dma_start3A_291, %dma_start3A_292] : memref<10000x128xf32, #tpu.memory_space<hbm>> -> memref<10000x128xf32, #tpu.memory_space<hbm>>
        tpu.enqueue_indirect_dma source(%dma_start3A_293 : memref<10000x128xf32, #tpu.memory_space<hbm>>) target(%dma_start3A_287 : memref<128x128xf32, #tpu.memory_space<vmem>>) offsets(%dma_start3A_290 : memref<128xi32, #tpu.memory_space<vmem>>) semaphore(%arg10 : memref<!tpu.dma_semaphore, #tpu.memory_space<semaphore_mem>>)
      } else {
      }
      %dma_wait3A_252 = arith.constant 1 : i32
      %dma_wait3A_253 = arith.constant 1 : i32
      %dma_wait3A_254 = arith.constant 0 : i32
      %dma_wait3A_255 = arith.constant 1 : i32
      %dma_wait3A_256 = arith.constant 0 : i32
      %dma_wait3A_257 = arith.constant 0 : i32
      %dma_wait3A_258 = tpu.memref_slice %arg6[%dma_wait3A_255, %dma_wait3A_256, %dma_wait3A_257] : memref<2x128x128xf32, #tpu.memory_space<vmem>> -> memref<1x128x128xf32, #tpu.memory_space<vmem>>
      %dma_wait3A_259 = tpu.memref_squeeze %dma_wait3A_258 : memref<1x128x128xf32, #tpu.memory_space<vmem>> -> memref<128x128xf32, #tpu.memory_space<vmem>>
      %dma_wait3A_260 = arith.constant 0 : i32
      %dma_wait3A_261 = tpu.memref_slice %arg5[%dma_wait3A_252, %dma_wait3A_253, %dma_wait3A_254, %dma_wait3A_260] : memref<2x2x2x128xi32, #tpu.memory_space<vmem>> -> memref<1x1x1x128xi32, #tpu.memory_space<vmem>>
      %dma_wait3A_262 = tpu.memref_squeeze %dma_wait3A_261 : memref<1x1x1x128xi32, #tpu.memory_space<vmem>> -> memref<128xi32, #tpu.memory_space<vmem>>
      %dma_wait3A_263 = arith.constant 0 : i32
      %dma_wait3A_264 = arith.constant 0 : i32
      %dma_wait3A_265 = tpu.memref_slice %arg2[%dma_wait3A_263, %dma_wait3A_264] : memref<10000x128xf32, #tpu.memory_space<hbm>> -> memref<10000x128xf32, #tpu.memory_space<hbm>>
      tpu.wait_indirect_dma semaphore(%arg11 : memref<!tpu.dma_semaphore, #tpu.memory_space<semaphore_mem>>) src(%dma_wait3A_265 : memref<10000x128xf32, #tpu.memory_space<hbm>>) dst(%dma_wait3A_259 : memref<128x128xf32, #tpu.memory_space<vmem>>)
      %dma_start3A_266 = arith.constant 1 : i32
      %dma_start3A_267 = arith.constant 1 : i32
      %dma_start3A_268 = arith.constant 1 : i32
      %dma_start3A_269 = arith.constant 1 : i32
      %dma_start3A_270 = arith.constant 0 : i32
      %dma_start3A_271 = arith.constant 0 : i32
      %dma_start3A_272 = tpu.memref_slice %arg6[%dma_start3A_266, %dma_start3A_270, %dma_start3A_271] : memref<2x128x128xf32, #tpu.memory_space<vmem>> -> memref<1x128x128xf32, #tpu.memory_space<vmem>>
      %dma_start3A_273 = tpu.memref_squeeze %dma_start3A_272 : memref<1x128x128xf32, #tpu.memory_space<vmem>> -> memref<128x128xf32, #tpu.memory_space<vmem>>
      %dma_start3A_274 = arith.constant 0 : i32
      %dma_start3A_275 = tpu.memref_slice %arg5[%dma_start3A_267, %dma_start3A_268, %dma_start3A_269, %dma_start3A_274] : memref<2x2x2x128xi32, #tpu.memory_space<vmem>> -> memref<1x1x1x128xi32, #tpu.memory_space<vmem>>
      %dma_start3A_276 = tpu.memref_squeeze %dma_start3A_275 : memref<1x1x1x128xi32, #tpu.memory_space<vmem>> -> memref<128xi32, #tpu.memory_space<vmem>>
      %dma_start3A_277 = arith.constant 0 : i32
      %dma_start3A_278 = arith.constant 0 : i32
      %dma_start3A_279 = tpu.memref_slice %arg9[%dma_start3A_277, %dma_start3A_278] : memref<10112x128xf32, #tpu.memory_space<vmem_shared>> -> memref<10112x128xf32, #tpu.memory_space<vmem_shared>>
      tpu.enqueue_indirect_dma source(%dma_start3A_273 : memref<128x128xf32, #tpu.memory_space<vmem>>) target(%dma_start3A_279 : memref<10112x128xf32, #tpu.memory_space<vmem_shared>>) offsets(%dma_start3A_276 : memref<128xi32, #tpu.memory_space<vmem>>) semaphore(%arg13 : memref<!tpu.dma_semaphore, #tpu.memory_space<semaphore_mem>>) {add = true}
    }
    %while3A_58 = arith.constant 1 : i32
    scf.for %while3A_72 = %while3A_56 to %while3A_52 step %while3A_58  : i32 {
      %mul3A_73 = arith.constant 2 : i32
      %mul3A_74 = arith.muli %while3A_72, %mul3A_73 : i32
      %add3A_75 = arith.constant 0 : i32
      %add3A_76 = arith.addi %mul3A_74, %add3A_75 : i32
      %mul3A_77 = arith.constant 2 : i32
      %mul3A_78 = arith.muli %add3A_76, %mul3A_77 : i32
      %add3A_79 = arith.addi %select_n3A, %mul3A_78 : i32
      %dma_wait3A = arith.constant 1 : i32
      %dma_wait3A_80 = arith.constant 0 : i32
      %dma_wait3A_81 = arith.constant 0 : i32
      %dma_wait3A_82 = tpu.memref_slice %arg6[%dma_wait3A, %dma_wait3A_80, %dma_wait3A_81] : memref<2x128x128xf32, #tpu.memory_space<vmem>> -> memref<1x128x128xf32, #tpu.memory_space<vmem>>
      %dma_wait3A_83 = tpu.memref_squeeze %dma_wait3A_82 : memref<1x128x128xf32, #tpu.memory_space<vmem>> -> memref<128x128xf32, #tpu.memory_space<vmem>>
      %dma_wait3A_84 = arith.constant 0 : i32
      %dma_wait3A_85 = arith.constant 0 : i32
      %dma_wait3A_86 = tpu.memref_slice %arg9[%dma_wait3A_84, %dma_wait3A_85] : memref<10112x128xf32, #tpu.memory_space<vmem_shared>> -> memref<10112x128xf32, #tpu.memory_space<vmem_shared>>
      tpu.wait_indirect_dma semaphore(%arg13 : memref<!tpu.dma_semaphore, #tpu.memory_space<semaphore_mem>>) src(%dma_wait3A_83 : memref<128x128xf32, #tpu.memory_space<vmem>>) dst(%dma_wait3A_86 : memref<10112x128xf32, #tpu.memory_space<vmem_shared>>)
      %sub3A_87 = arith.constant 1 : i32
      %sub3A_88 = arith.subi %select_n3A_8, %sub3A_87 : i32
      %lt3A = arith.cmpi slt, %add3A_76, %sub3A_88 : i32
      %convert_element_type3A_89 = arith.extui %lt3A : i1 to i32
      %cond3A_90 = arith.constant 0 : i32
      %cond3A_91 = arith.cmpi ne, %convert_element_type3A_89, %cond3A_90 : i32
      scf.if %cond3A_91 {
        %add3A_280 = arith.constant 2 : i32
        %add3A_281 = arith.addi %add3A_79, %add3A_280 : i32
        %run_scoped3A = arith.constant 1 : i32
        "tpu.region"() ({
          %run_scoped3A_282 = tpu.sem_alloc : memref<!tpu.dma_semaphore, #tpu.memory_space<semaphore_mem>>
          %dma_start3A_283 = arith.constant 0 : i32
          %dma_start3A_284 = arith.constant 0 : i32
          %dma_start3A_285 = arith.constant 0 : i32
          %dma_start3A_286 = tpu.memref_slice %arg5[%run_scoped3A, %dma_start3A_283, %dma_start3A_284, %dma_start3A_285] : memref<2x2x2x128xi32, #tpu.memory_space<vmem>> -> memref<1x2x2x128xi32, #tpu.memory_space<vmem>>
          %dma_start3A_287 = tpu.memref_squeeze %dma_start3A_286 : memref<1x2x2x128xi32, #tpu.memory_space<vmem>> -> memref<2x2x128xi32, #tpu.memory_space<vmem>>
          %dma_start3A_288 = arith.constant 0 : i32
          %dma_start3A_289 = arith.constant 0 : i32
          %dma_start3A_290 = tpu.memref_slice %arg3[%add3A_281, %dma_start3A_288, %dma_start3A_289] : memref<2560x2x128xi32, #tpu.memory_space<hbm>> -> memref<2x2x128xi32, #tpu.memory_space<hbm>>
          %dma_start3A_291 = arith.constant 0 : i32
          %dma_start3A_292 = arith.constant 0 : i32
          %dma_start3A_293 = arith.constant 0 : i32
          %dma_start3A_294 = tpu.memref_slice %arg5[%run_scoped3A, %dma_start3A_291, %dma_start3A_292, %dma_start3A_293] : memref<2x2x2x128xi32, #tpu.memory_space<vmem>> -> memref<1x2x2x128xi32, #tpu.memory_space<vmem>>
          %dma_start3A_295 = tpu.memref_squeeze %dma_start3A_294 : memref<1x2x2x128xi32, #tpu.memory_space<vmem>> -> memref<2x2x128xi32, #tpu.memory_space<vmem>>
          %dma_start3A_296 = arith.constant 0 : i32
          %dma_start3A_297 = arith.constant 0 : i32
          %dma_start3A_298 = tpu.memref_slice %arg3[%add3A_281, %dma_start3A_296, %dma_start3A_297] : memref<2560x2x128xi32, #tpu.memory_space<hbm>> -> memref<2x2x128xi32, #tpu.memory_space<hbm>>
          tpu.enqueue_dma source(%dma_start3A_298 : memref<2x2x128xi32, #tpu.memory_space<hbm>>) target(%dma_start3A_295 : memref<2x2x128xi32, #tpu.memory_space<vmem>>) target_semaphore(%run_scoped3A_282 : memref<!tpu.dma_semaphore, #tpu.memory_space<semaphore_mem>>)
          %dma_wait3A_299 = arith.constant 0 : i32
          %dma_wait3A_300 = arith.constant 0 : i32
          %dma_wait3A_301 = arith.constant 0 : i32
          %dma_wait3A_302 = tpu.memref_slice %arg5[%run_scoped3A, %dma_wait3A_299, %dma_wait3A_300, %dma_wait3A_301] : memref<2x2x2x128xi32, #tpu.memory_space<vmem>> -> memref<1x2x2x128xi32, #tpu.memory_space<vmem>>
          %dma_wait3A_303 = tpu.memref_squeeze %dma_wait3A_302 : memref<1x2x2x128xi32, #tpu.memory_space<vmem>> -> memref<2x2x128xi32, #tpu.memory_space<vmem>>
          %dma_wait3A_304 = arith.constant 0 : i32
          %dma_wait3A_305 = arith.constant 0 : i32
          %dma_wait3A_306 = tpu.memref_slice %arg3[%add3A_281, %dma_wait3A_304, %dma_wait3A_305] : memref<2560x2x128xi32, #tpu.memory_space<hbm>> -> memref<2x2x128xi32, #tpu.memory_space<hbm>>
          %dma_wait3A_307 = arith.constant 0 : i32
          %dma_wait3A_308 = arith.constant 0 : i32
          %dma_wait3A_309 = arith.constant 0 : i32
          %dma_wait3A_310 = tpu.memref_slice %arg5[%run_scoped3A, %dma_wait3A_307, %dma_wait3A_308, %dma_wait3A_309] : memref<2x2x2x128xi32, #tpu.memory_space<vmem>> -> memref<1x2x2x128xi32, #tpu.memory_space<vmem>>
          %dma_wait3A_311 = tpu.memref_squeeze %dma_wait3A_310 : memref<1x2x2x128xi32, #tpu.memory_space<vmem>> -> memref<2x2x128xi32, #tpu.memory_space<vmem>>
          %dma_wait3A_312 = arith.constant 0 : i32
          %dma_wait3A_313 = arith.constant 0 : i32
          %dma_wait3A_314 = tpu.memref_slice %arg3[%add3A_281, %dma_wait3A_312, %dma_wait3A_313] : memref<2560x2x128xi32, #tpu.memory_space<hbm>> -> memref<2x2x128xi32, #tpu.memory_space<hbm>>
          tpu.wait_dma2 semaphore(%run_scoped3A_282 : memref<!tpu.dma_semaphore, #tpu.memory_space<semaphore_mem>>) src(%dma_wait3A_314 : memref<2x2x128xi32, #tpu.memory_space<hbm>>) dst(%dma_wait3A_311 : memref<2x2x128xi32, #tpu.memory_space<vmem>>)
          tpu.yield
        }) : () -> ()
      } else {
      }
      %dma_start3A = arith.constant 0 : i32
      %dma_start3A_92 = arith.constant 1 : i32
      %dma_start3A_93 = arith.constant 0 : i32
      %dma_start3A_94 = arith.constant 1 : i32
      %dma_start3A_95 = arith.constant 0 : i32
      %dma_start3A_96 = arith.constant 0 : i32
      %dma_start3A_97 = tpu.memref_slice %arg6[%dma_start3A_94, %dma_start3A_95, %dma_start3A_96] : memref<2x128x128xf32, #tpu.memory_space<vmem>> -> memref<1x128x128xf32, #tpu.memory_space<vmem>>
      %dma_start3A_98 = tpu.memref_squeeze %dma_start3A_97 : memref<1x128x128xf32, #tpu.memory_space<vmem>> -> memref<128x128xf32, #tpu.memory_space<vmem>>
      %dma_start3A_99 = arith.constant 0 : i32
      %dma_start3A_100 = tpu.memref_slice %arg5[%dma_start3A, %dma_start3A_92, %dma_start3A_93, %dma_start3A_99] : memref<2x2x2x128xi32, #tpu.memory_space<vmem>> -> memref<1x1x1x128xi32, #tpu.memory_space<vmem>>
      %dma_start3A_101 = tpu.memref_squeeze %dma_start3A_100 : memref<1x1x1x128xi32, #tpu.memory_space<vmem>> -> memref<128xi32, #tpu.memory_space<vmem>>
      %dma_start3A_102 = arith.constant 0 : i32
      %dma_start3A_103 = arith.constant 0 : i32
      %dma_start3A_104 = tpu.memref_slice %arg2[%dma_start3A_102, %dma_start3A_103] : memref<10000x128xf32, #tpu.memory_space<hbm>> -> memref<10000x128xf32, #tpu.memory_space<hbm>>
      tpu.enqueue_indirect_dma source(%dma_start3A_104 : memref<10000x128xf32, #tpu.memory_space<hbm>>) target(%dma_start3A_98 : memref<128x128xf32, #tpu.memory_space<vmem>>) offsets(%dma_start3A_101 : memref<128xi32, #tpu.memory_space<vmem>>) semaphore(%arg11 : memref<!tpu.dma_semaphore, #tpu.memory_space<semaphore_mem>>)
      %dma_wait3A_105 = arith.constant 0 : i32
      %dma_wait3A_106 = arith.constant 0 : i32
      %dma_wait3A_107 = arith.constant 0 : i32
      %dma_wait3A_108 = arith.constant 0 : i32
      %dma_wait3A_109 = arith.constant 0 : i32
      %dma_wait3A_110 = arith.constant 0 : i32
      %dma_wait3A_111 = tpu.memref_slice %arg6[%dma_wait3A_108, %dma_wait3A_109, %dma_wait3A_110] : memref<2x128x128xf32, #tpu.memory_space<vmem>> -> memref<1x128x128xf32, #tpu.memory_space<vmem>>
      %dma_wait3A_112 = tpu.memref_squeeze %dma_wait3A_111 : memref<1x128x128xf32, #tpu.memory_space<vmem>> -> memref<128x128xf32, #tpu.memory_space<vmem>>
      %dma_wait3A_113 = arith.constant 0 : i32
      %dma_wait3A_114 = tpu.memref_slice %arg5[%dma_wait3A_105, %dma_wait3A_106, %dma_wait3A_107, %dma_wait3A_113] : memref<2x2x2x128xi32, #tpu.memory_space<vmem>> -> memref<1x1x1x128xi32, #tpu.memory_space<vmem>>
      %dma_wait3A_115 = tpu.memref_squeeze %dma_wait3A_114 : memref<1x1x1x128xi32, #tpu.memory_space<vmem>> -> memref<128xi32, #tpu.memory_space<vmem>>
      %dma_wait3A_116 = arith.constant 0 : i32
      %dma_wait3A_117 = arith.constant 0 : i32
      %dma_wait3A_118 = tpu.memref_slice %arg2[%dma_wait3A_116, %dma_wait3A_117] : memref<10000x128xf32, #tpu.memory_space<hbm>> -> memref<10000x128xf32, #tpu.memory_space<hbm>>
      tpu.wait_indirect_dma semaphore(%arg10 : memref<!tpu.dma_semaphore, #tpu.memory_space<semaphore_mem>>) src(%dma_wait3A_118 : memref<10000x128xf32, #tpu.memory_space<hbm>>) dst(%dma_wait3A_112 : memref<128x128xf32, #tpu.memory_space<vmem>>)
      %dma_start3A_119 = arith.constant 0 : i32
      %dma_start3A_120 = arith.constant 0 : i32
      %dma_start3A_121 = arith.constant 0 : i32
      %dma_start3A_122 = arith.constant 1 : i32
      %dma_start3A_123 = arith.constant 0 : i32
      %dma_start3A_124 = arith.constant 0 : i32
      %dma_start3A_125 = tpu.memref_slice %arg6[%dma_start3A_119, %dma_start3A_123, %dma_start3A_124] : memref<2x128x128xf32, #tpu.memory_space<vmem>> -> memref<1x128x128xf32, #tpu.memory_space<vmem>>
      %dma_start3A_126 = tpu.memref_squeeze %dma_start3A_125 : memref<1x128x128xf32, #tpu.memory_space<vmem>> -> memref<128x128xf32, #tpu.memory_space<vmem>>
      %dma_start3A_127 = arith.constant 0 : i32
      %dma_start3A_128 = tpu.memref_slice %arg5[%dma_start3A_120, %dma_start3A_121, %dma_start3A_122, %dma_start3A_127] : memref<2x2x2x128xi32, #tpu.memory_space<vmem>> -> memref<1x1x1x128xi32, #tpu.memory_space<vmem>>
      %dma_start3A_129 = tpu.memref_squeeze %dma_start3A_128 : memref<1x1x1x128xi32, #tpu.memory_space<vmem>> -> memref<128xi32, #tpu.memory_space<vmem>>
      %dma_start3A_130 = arith.constant 0 : i32
      %dma_start3A_131 = arith.constant 0 : i32
      %dma_start3A_132 = tpu.memref_slice %arg9[%dma_start3A_130, %dma_start3A_131] : memref<10112x128xf32, #tpu.memory_space<vmem_shared>> -> memref<10112x128xf32, #tpu.memory_space<vmem_shared>>
      tpu.enqueue_indirect_dma source(%dma_start3A_126 : memref<128x128xf32, #tpu.memory_space<vmem>>) target(%dma_start3A_132 : memref<10112x128xf32, #tpu.memory_space<vmem_shared>>) offsets(%dma_start3A_129 : memref<128xi32, #tpu.memory_space<vmem>>) semaphore(%arg12 : memref<!tpu.dma_semaphore, #tpu.memory_space<semaphore_mem>>) {add = true}
      %dma_wait3A_133 = arith.constant 0 : i32
      %dma_wait3A_134 = arith.constant 0 : i32
      %dma_wait3A_135 = arith.constant 0 : i32
      %dma_wait3A_136 = tpu.memref_slice %arg6[%dma_wait3A_133, %dma_wait3A_134, %dma_wait3A_135] : memref<2x128x128xf32, #tpu.memory_space<vmem>> -> memref<1x128x128xf32, #tpu.memory_space<vmem>>
      %dma_wait3A_137 = tpu.memref_squeeze %dma_wait3A_136 : memref<1x128x128xf32, #tpu.memory_space<vmem>> -> memref<128x128xf32, #tpu.memory_space<vmem>>
      %dma_wait3A_138 = arith.constant 0 : i32
      %dma_wait3A_139 = arith.constant 0 : i32
      %dma_wait3A_140 = tpu.memref_slice %arg9[%dma_wait3A_138, %dma_wait3A_139] : memref<10112x128xf32, #tpu.memory_space<vmem_shared>> -> memref<10112x128xf32, #tpu.memory_space<vmem_shared>>
      tpu.wait_indirect_dma semaphore(%arg12 : memref<!tpu.dma_semaphore, #tpu.memory_space<semaphore_mem>>) src(%dma_wait3A_137 : memref<128x128xf32, #tpu.memory_space<vmem>>) dst(%dma_wait3A_140 : memref<10112x128xf32, #tpu.memory_space<vmem_shared>>)
      %sub3A_141 = arith.constant 1 : i32
      %sub3A_142 = arith.subi %select_n3A_8, %sub3A_141 : i32
      %lt3A_143 = arith.cmpi slt, %add3A_76, %sub3A_142 : i32
      %convert_element_type3A_144 = arith.extui %lt3A_143 : i1 to i32
      %cond3A_145 = arith.constant 0 : i32
      %cond3A_146 = arith.cmpi ne, %convert_element_type3A_144, %cond3A_145 : i32
      scf.if %cond3A_146 {
        %dma_start3A_280 = arith.constant 1 : i32
        %dma_start3A_281 = arith.constant 0 : i32
        %dma_start3A_282 = arith.constant 0 : i32
        %dma_start3A_283 = arith.constant 0 : i32
        %dma_start3A_284 = arith.constant 0 : i32
        %dma_start3A_285 = arith.constant 0 : i32
        %dma_start3A_286 = tpu.memref_slice %arg6[%dma_start3A_283, %dma_start3A_284, %dma_start3A_285] : memref<2x128x128xf32, #tpu.memory_space<vmem>> -> memref<1x128x128xf32, #tpu.memory_space<vmem>>
        %dma_start3A_287 = tpu.memref_squeeze %dma_start3A_286 : memref<1x128x128xf32, #tpu.memory_space<vmem>> -> memref<128x128xf32, #tpu.memory_space<vmem>>
        %dma_start3A_288 = arith.constant 0 : i32
        %dma_start3A_289 = tpu.memref_slice %arg5[%dma_start3A_280, %dma_start3A_281, %dma_start3A_282, %dma_start3A_288] : memref<2x2x2x128xi32, #tpu.memory_space<vmem>> -> memref<1x1x1x128xi32, #tpu.memory_space<vmem>>
        %dma_start3A_290 = tpu.memref_squeeze %dma_start3A_289 : memref<1x1x1x128xi32, #tpu.memory_space<vmem>> -> memref<128xi32, #tpu.memory_space<vmem>>
        %dma_start3A_291 = arith.constant 0 : i32
        %dma_start3A_292 = arith.constant 0 : i32
        %dma_start3A_293 = tpu.memref_slice %arg2[%dma_start3A_291, %dma_start3A_292] : memref<10000x128xf32, #tpu.memory_space<hbm>> -> memref<10000x128xf32, #tpu.memory_space<hbm>>
        tpu.enqueue_indirect_dma source(%dma_start3A_293 : memref<10000x128xf32, #tpu.memory_space<hbm>>) target(%dma_start3A_287 : memref<128x128xf32, #tpu.memory_space<vmem>>) offsets(%dma_start3A_290 : memref<128xi32, #tpu.memory_space<vmem>>) semaphore(%arg10 : memref<!tpu.dma_semaphore, #tpu.memory_space<semaphore_mem>>)
      } else {
      }
      %dma_wait3A_147 = arith.constant 0 : i32
      %dma_wait3A_148 = arith.constant 1 : i32
      %dma_wait3A_149 = arith.constant 0 : i32
      %dma_wait3A_150 = arith.constant 1 : i32
      %dma_wait3A_151 = arith.constant 0 : i32
      %dma_wait3A_152 = arith.constant 0 : i32
      %dma_wait3A_153 = tpu.memref_slice %arg6[%dma_wait3A_150, %dma_wait3A_151, %dma_wait3A_152] : memref<2x128x128xf32, #tpu.memory_space<vmem>> -> memref<1x128x128xf32, #tpu.memory_space<vmem>>
      %dma_wait3A_154 = tpu.memref_squeeze %dma_wait3A_153 : memref<1x128x128xf32, #tpu.memory_space<vmem>> -> memref<128x128xf32, #tpu.memory_space<vmem>>
      %dma_wait3A_155 = arith.constant 0 : i32
      %dma_wait3A_156 = tpu.memref_slice %arg5[%dma_wait3A_147, %dma_wait3A_148, %dma_wait3A_149, %dma_wait3A_155] : memref<2x2x2x128xi32, #tpu.memory_space<vmem>> -> memref<1x1x1x128xi32, #tpu.memory_space<vmem>>
      %dma_wait3A_157 = tpu.memref_squeeze %dma_wait3A_156 : memref<1x1x1x128xi32, #tpu.memory_space<vmem>> -> memref<128xi32, #tpu.memory_space<vmem>>
      %dma_wait3A_158 = arith.constant 0 : i32
      %dma_wait3A_159 = arith.constant 0 : i32
      %dma_wait3A_160 = tpu.memref_slice %arg2[%dma_wait3A_158, %dma_wait3A_159] : memref<10000x128xf32, #tpu.memory_space<hbm>> -> memref<10000x128xf32, #tpu.memory_space<hbm>>
      tpu.wait_indirect_dma semaphore(%arg11 : memref<!tpu.dma_semaphore, #tpu.memory_space<semaphore_mem>>) src(%dma_wait3A_160 : memref<10000x128xf32, #tpu.memory_space<hbm>>) dst(%dma_wait3A_154 : memref<128x128xf32, #tpu.memory_space<vmem>>)
      %dma_start3A_161 = arith.constant 1 : i32
      %dma_start3A_162 = arith.constant 0 : i32
      %dma_start3A_163 = arith.constant 1 : i32
      %dma_start3A_164 = arith.constant 1 : i32
      %dma_start3A_165 = arith.constant 0 : i32
      %dma_start3A_166 = arith.constant 0 : i32
      %dma_start3A_167 = tpu.memref_slice %arg6[%dma_start3A_161, %dma_start3A_165, %dma_start3A_166] : memref<2x128x128xf32, #tpu.memory_space<vmem>> -> memref<1x128x128xf32, #tpu.memory_space<vmem>>
      %dma_start3A_168 = tpu.memref_squeeze %dma_start3A_167 : memref<1x128x128xf32, #tpu.memory_space<vmem>> -> memref<128x128xf32, #tpu.memory_space<vmem>>
      %dma_start3A_169 = arith.constant 0 : i32
      %dma_start3A_170 = tpu.memref_slice %arg5[%dma_start3A_162, %dma_start3A_163, %dma_start3A_164, %dma_start3A_169] : memref<2x2x2x128xi32, #tpu.memory_space<vmem>> -> memref<1x1x1x128xi32, #tpu.memory_space<vmem>>
      %dma_start3A_171 = tpu.memref_squeeze %dma_start3A_170 : memref<1x1x1x128xi32, #tpu.memory_space<vmem>> -> memref<128xi32, #tpu.memory_space<vmem>>
      %dma_start3A_172 = arith.constant 0 : i32
      %dma_start3A_173 = arith.constant 0 : i32
      %dma_start3A_174 = tpu.memref_slice %arg9[%dma_start3A_172, %dma_start3A_173] : memref<10112x128xf32, #tpu.memory_space<vmem_shared>> -> memref<10112x128xf32, #tpu.memory_space<vmem_shared>>
      tpu.enqueue_indirect_dma source(%dma_start3A_168 : memref<128x128xf32, #tpu.memory_space<vmem>>) target(%dma_start3A_174 : memref<10112x128xf32, #tpu.memory_space<vmem_shared>>) offsets(%dma_start3A_171 : memref<128xi32, #tpu.memory_space<vmem>>) semaphore(%arg13 : memref<!tpu.dma_semaphore, #tpu.memory_space<semaphore_mem>>) {add = true}
      %mul3A_175 = arith.constant 2 : i32
      %mul3A_176 = arith.muli %while3A_72, %mul3A_175 : i32
      %add3A_177 = arith.constant 1 : i32
      %add3A_178 = arith.addi %mul3A_176, %add3A_177 : i32
      %mul3A_179 = arith.constant 2 : i32
      %mul3A_180 = arith.muli %add3A_178, %mul3A_179 : i32
      %add3A_181 = arith.addi %select_n3A, %mul3A_180 : i32
      %dma_wait3A_182 = arith.constant 1 : i32
      %dma_wait3A_183 = arith.constant 0 : i32
      %dma_wait3A_184 = arith.constant 0 : i32
      %dma_wait3A_185 = tpu.memref_slice %arg6[%dma_wait3A_182, %dma_wait3A_183, %dma_wait3A_184] : memref<2x128x128xf32, #tpu.memory_space<vmem>> -> memref<1x128x128xf32, #tpu.memory_space<vmem>>
      %dma_wait3A_186 = tpu.memref_squeeze %dma_wait3A_185 : memref<1x128x128xf32, #tpu.memory_space<vmem>> -> memref<128x128xf32, #tpu.memory_space<vmem>>
      %dma_wait3A_187 = arith.constant 0 : i32
      %dma_wait3A_188 = arith.constant 0 : i32
      %dma_wait3A_189 = tpu.memref_slice %arg9[%dma_wait3A_187, %dma_wait3A_188] : memref<10112x128xf32, #tpu.memory_space<vmem_shared>> -> memref<10112x128xf32, #tpu.memory_space<vmem_shared>>
      tpu.wait_indirect_dma semaphore(%arg13 : memref<!tpu.dma_semaphore, #tpu.memory_space<semaphore_mem>>) src(%dma_wait3A_186 : memref<128x128xf32, #tpu.memory_space<vmem>>) dst(%dma_wait3A_189 : memref<10112x128xf32, #tpu.memory_space<vmem_shared>>)
      %sub3A_190 = arith.constant 1 : i32
      %sub3A_191 = arith.subi %select_n3A_8, %sub3A_190 : i32
      %lt3A_192 = arith.cmpi slt, %add3A_178, %sub3A_191 : i32
      %convert_element_type3A_193 = arith.extui %lt3A_192 : i1 to i32
      %cond3A_194 = arith.constant 0 : i32
      %cond3A_195 = arith.cmpi ne, %convert_element_type3A_193, %cond3A_194 : i32
      scf.if %cond3A_195 {
        %add3A_280 = arith.constant 2 : i32
        %add3A_281 = arith.addi %add3A_181, %add3A_280 : i32
        %run_scoped3A = arith.constant 0 : i32
        "tpu.region"() ({
          %run_scoped3A_282 = tpu.sem_alloc : memref<!tpu.dma_semaphore, #tpu.memory_space<semaphore_mem>>
          %dma_start3A_283 = arith.constant 0 : i32
          %dma_start3A_284 = arith.constant 0 : i32
          %dma_start3A_285 = arith.constant 0 : i32
          %dma_start3A_286 = tpu.memref_slice %arg5[%run_scoped3A, %dma_start3A_283, %dma_start3A_284, %dma_start3A_285] : memref<2x2x2x128xi32, #tpu.memory_space<vmem>> -> memref<1x2x2x128xi32, #tpu.memory_space<vmem>>
          %dma_start3A_287 = tpu.memref_squeeze %dma_start3A_286 : memref<1x2x2x128xi32, #tpu.memory_space<vmem>> -> memref<2x2x128xi32, #tpu.memory_space<vmem>>
          %dma_start3A_288 = arith.constant 0 : i32
          %dma_start3A_289 = arith.constant 0 : i32
          %dma_start3A_290 = tpu.memref_slice %arg3[%add3A_281, %dma_start3A_288, %dma_start3A_289] : memref<2560x2x128xi32, #tpu.memory_space<hbm>> -> memref<2x2x128xi32, #tpu.memory_space<hbm>>
          %dma_start3A_291 = arith.constant 0 : i32
          %dma_start3A_292 = arith.constant 0 : i32
          %dma_start3A_293 = arith.constant 0 : i32
          %dma_start3A_294 = tpu.memref_slice %arg5[%run_scoped3A, %dma_start3A_291, %dma_start3A_292, %dma_start3A_293] : memref<2x2x2x128xi32, #tpu.memory_space<vmem>> -> memref<1x2x2x128xi32, #tpu.memory_space<vmem>>
          %dma_start3A_295 = tpu.memref_squeeze %dma_start3A_294 : memref<1x2x2x128xi32, #tpu.memory_space<vmem>> -> memref<2x2x128xi32, #tpu.memory_space<vmem>>
          %dma_start3A_296 = arith.constant 0 : i32
          %dma_start3A_297 = arith.constant 0 : i32
          %dma_start3A_298 = tpu.memref_slice %arg3[%add3A_281, %dma_start3A_296, %dma_start3A_297] : memref<2560x2x128xi32, #tpu.memory_space<hbm>> -> memref<2x2x128xi32, #tpu.memory_space<hbm>>
          tpu.enqueue_dma source(%dma_start3A_298 : memref<2x2x128xi32, #tpu.memory_space<hbm>>) target(%dma_start3A_295 : memref<2x2x128xi32, #tpu.memory_space<vmem>>) target_semaphore(%run_scoped3A_282 : memref<!tpu.dma_semaphore, #tpu.memory_space<semaphore_mem>>)
          %dma_wait3A_299 = arith.constant 0 : i32
          %dma_wait3A_300 = arith.constant 0 : i32
          %dma_wait3A_301 = arith.constant 0 : i32
          %dma_wait3A_302 = tpu.memref_slice %arg5[%run_scoped3A, %dma_wait3A_299, %dma_wait3A_300, %dma_wait3A_301] : memref<2x2x2x128xi32, #tpu.memory_space<vmem>> -> memref<1x2x2x128xi32, #tpu.memory_space<vmem>>
          %dma_wait3A_303 = tpu.memref_squeeze %dma_wait3A_302 : memref<1x2x2x128xi32, #tpu.memory_space<vmem>> -> memref<2x2x128xi32, #tpu.memory_space<vmem>>
          %dma_wait3A_304 = arith.constant 0 : i32
          %dma_wait3A_305 = arith.constant 0 : i32
          %dma_wait3A_306 = tpu.memref_slice %arg3[%add3A_281, %dma_wait3A_304, %dma_wait3A_305] : memref<2560x2x128xi32, #tpu.memory_space<hbm>> -> memref<2x2x128xi32, #tpu.memory_space<hbm>>
          %dma_wait3A_307 = arith.constant 0 : i32
          %dma_wait3A_308 = arith.constant 0 : i32
          %dma_wait3A_309 = arith.constant 0 : i32
          %dma_wait3A_310 = tpu.memref_slice %arg5[%run_scoped3A, %dma_wait3A_307, %dma_wait3A_308, %dma_wait3A_309] : memref<2x2x2x128xi32, #tpu.memory_space<vmem>> -> memref<1x2x2x128xi32, #tpu.memory_space<vmem>>
          %dma_wait3A_311 = tpu.memref_squeeze %dma_wait3A_310 : memref<1x2x2x128xi32, #tpu.memory_space<vmem>> -> memref<2x2x128xi32, #tpu.memory_space<vmem>>
          %dma_wait3A_312 = arith.constant 0 : i32
          %dma_wait3A_313 = arith.constant 0 : i32
          %dma_wait3A_314 = tpu.memref_slice %arg3[%add3A_281, %dma_wait3A_312, %dma_wait3A_313] : memref<2560x2x128xi32, #tpu.memory_space<hbm>> -> memref<2x2x128xi32, #tpu.memory_space<hbm>>
          tpu.wait_dma2 semaphore(%run_scoped3A_282 : memref<!tpu.dma_semaphore, #tpu.memory_space<semaphore_mem>>) src(%dma_wait3A_314 : memref<2x2x128xi32, #tpu.memory_space<hbm>>) dst(%dma_wait3A_311 : memref<2x2x128xi32, #tpu.memory_space<vmem>>)
          tpu.yield
        }) : () -> ()
      } else {
      }
      %dma_start3A_196 = arith.constant 1 : i32
      %dma_start3A_197 = arith.constant 1 : i32
      %dma_start3A_198 = arith.constant 0 : i32
      %dma_start3A_199 = arith.constant 1 : i32
      %dma_start3A_200 = arith.constant 0 : i32
      %dma_start3A_201 = arith.constant 0 : i32
      %dma_start3A_202 = tpu.memref_slice %arg6[%dma_start3A_199, %dma_start3A_200, %dma_start3A_201] : memref<2x128x128xf32, #tpu.memory_space<vmem>> -> memref<1x128x128xf32, #tpu.memory_space<vmem>>
      %dma_start3A_203 = tpu.memref_squeeze %dma_start3A_202 : memref<1x128x128xf32, #tpu.memory_space<vmem>> -> memref<128x128xf32, #tpu.memory_space<vmem>>
      %dma_start3A_204 = arith.constant 0 : i32
      %dma_start3A_205 = tpu.memref_slice %arg5[%dma_start3A_196, %dma_start3A_197, %dma_start3A_198, %dma_start3A_204] : memref<2x2x2x128xi32, #tpu.memory_space<vmem>> -> memref<1x1x1x128xi32, #tpu.memory_space<vmem>>
      %dma_start3A_206 = tpu.memref_squeeze %dma_start3A_205 : memref<1x1x1x128xi32, #tpu.memory_space<vmem>> -> memref<128xi32, #tpu.memory_space<vmem>>
      %dma_start3A_207 = arith.constant 0 : i32
      %dma_start3A_208 = arith.constant 0 : i32
      %dma_start3A_209 = tpu.memref_slice %arg2[%dma_start3A_207, %dma_start3A_208] : memref<10000x128xf32, #tpu.memory_space<hbm>> -> memref<10000x128xf32, #tpu.memory_space<hbm>>
      tpu.enqueue_indirect_dma source(%dma_start3A_209 : memref<10000x128xf32, #tpu.memory_space<hbm>>) target(%dma_start3A_203 : memref<128x128xf32, #tpu.memory_space<vmem>>) offsets(%dma_start3A_206 : memref<128xi32, #tpu.memory_space<vmem>>) semaphore(%arg11 : memref<!tpu.dma_semaphore, #tpu.memory_space<semaphore_mem>>)
      %dma_wait3A_210 = arith.constant 1 : i32
      %dma_wait3A_211 = arith.constant 0 : i32
      %dma_wait3A_212 = arith.constant 0 : i32
      %dma_wait3A_213 = arith.constant 0 : i32
      %dma_wait3A_214 = arith.constant 0 : i32
      %dma_wait3A_215 = arith.constant 0 : i32
      %dma_wait3A_216 = tpu.memref_slice %arg6[%dma_wait3A_213, %dma_wait3A_214, %dma_wait3A_215] : memref<2x128x128xf32, #tpu.memory_space<vmem>> -> memref<1x128x128xf32, #tpu.memory_space<vmem>>
      %dma_wait3A_217 = tpu.memref_squeeze %dma_wait3A_216 : memref<1x128x128xf32, #tpu.memory_space<vmem>> -> memref<128x128xf32, #tpu.memory_space<vmem>>
      %dma_wait3A_218 = arith.constant 0 : i32
      %dma_wait3A_219 = tpu.memref_slice %arg5[%dma_wait3A_210, %dma_wait3A_211, %dma_wait3A_212, %dma_wait3A_218] : memref<2x2x2x128xi32, #tpu.memory_space<vmem>> -> memref<1x1x1x128xi32, #tpu.memory_space<vmem>>
      %dma_wait3A_220 = tpu.memref_squeeze %dma_wait3A_219 : memref<1x1x1x128xi32, #tpu.memory_space<vmem>> -> memref<128xi32, #tpu.memory_space<vmem>>
      %dma_wait3A_221 = arith.constant 0 : i32
      %dma_wait3A_222 = arith.constant 0 : i32
      %dma_wait3A_223 = tpu.memref_slice %arg2[%dma_wait3A_221, %dma_wait3A_222] : memref<10000x128xf32, #tpu.memory_space<hbm>> -> memref<10000x128xf32, #tpu.memory_space<hbm>>
      tpu.wait_indirect_dma semaphore(%arg10 : memref<!tpu.dma_semaphore, #tpu.memory_space<semaphore_mem>>) src(%dma_wait3A_223 : memref<10000x128xf32, #tpu.memory_space<hbm>>) dst(%dma_wait3A_217 : memref<128x128xf32, #tpu.memory_space<vmem>>)
      %dma_start3A_224 = arith.constant 0 : i32
      %dma_start3A_225 = arith.constant 1 : i32
      %dma_start3A_226 = arith.constant 0 : i32
      %dma_start3A_227 = arith.constant 1 : i32
      %dma_start3A_228 = arith.constant 0 : i32
      %dma_start3A_229 = arith.constant 0 : i32
      %dma_start3A_230 = tpu.memref_slice %arg6[%dma_start3A_224, %dma_start3A_228, %dma_start3A_229] : memref<2x128x128xf32, #tpu.memory_space<vmem>> -> memref<1x128x128xf32, #tpu.memory_space<vmem>>
      %dma_start3A_231 = tpu.memref_squeeze %dma_start3A_230 : memref<1x128x128xf32, #tpu.memory_space<vmem>> -> memref<128x128xf32, #tpu.memory_space<vmem>>
      %dma_start3A_232 = arith.constant 0 : i32
      %dma_start3A_233 = tpu.memref_slice %arg5[%dma_start3A_225, %dma_start3A_226, %dma_start3A_227, %dma_start3A_232] : memref<2x2x2x128xi32, #tpu.memory_space<vmem>> -> memref<1x1x1x128xi32, #tpu.memory_space<vmem>>
      %dma_start3A_234 = tpu.memref_squeeze %dma_start3A_233 : memref<1x1x1x128xi32, #tpu.memory_space<vmem>> -> memref<128xi32, #tpu.memory_space<vmem>>
      %dma_start3A_235 = arith.constant 0 : i32
      %dma_start3A_236 = arith.constant 0 : i32
      %dma_start3A_237 = tpu.memref_slice %arg9[%dma_start3A_235, %dma_start3A_236] : memref<10112x128xf32, #tpu.memory_space<vmem_shared>> -> memref<10112x128xf32, #tpu.memory_space<vmem_shared>>
      tpu.enqueue_indirect_dma source(%dma_start3A_231 : memref<128x128xf32, #tpu.memory_space<vmem>>) target(%dma_start3A_237 : memref<10112x128xf32, #tpu.memory_space<vmem_shared>>) offsets(%dma_start3A_234 : memref<128xi32, #tpu.memory_space<vmem>>) semaphore(%arg12 : memref<!tpu.dma_semaphore, #tpu.memory_space<semaphore_mem>>) {add = true}
      %dma_wait3A_238 = arith.constant 0 : i32
      %dma_wait3A_239 = arith.constant 0 : i32
      %dma_wait3A_240 = arith.constant 0 : i32
      %dma_wait3A_241 = tpu.memref_slice %arg6[%dma_wait3A_238, %dma_wait3A_239, %dma_wait3A_240] : memref<2x128x128xf32, #tpu.memory_space<vmem>> -> memref<1x128x128xf32, #tpu.memory_space<vmem>>
      %dma_wait3A_242 = tpu.memref_squeeze %dma_wait3A_241 : memref<1x128x128xf32, #tpu.memory_space<vmem>> -> memref<128x128xf32, #tpu.memory_space<vmem>>
      %dma_wait3A_243 = arith.constant 0 : i32
      %dma_wait3A_244 = arith.constant 0 : i32
      %dma_wait3A_245 = tpu.memref_slice %arg9[%dma_wait3A_243, %dma_wait3A_244] : memref<10112x128xf32, #tpu.memory_space<vmem_shared>> -> memref<10112x128xf32, #tpu.memory_space<vmem_shared>>
      tpu.wait_indirect_dma semaphore(%arg12 : memref<!tpu.dma_semaphore, #tpu.memory_space<semaphore_mem>>) src(%dma_wait3A_242 : memref<128x128xf32, #tpu.memory_space<vmem>>) dst(%dma_wait3A_245 : memref<10112x128xf32, #tpu.memory_space<vmem_shared>>)
      %sub3A_246 = arith.constant 1 : i32
      %sub3A_247 = arith.subi %select_n3A_8, %sub3A_246 : i32
      %lt3A_248 = arith.cmpi slt, %add3A_178, %sub3A_247 : i32
      %convert_element_type3A_249 = arith.extui %lt3A_248 : i1 to i32
      %cond3A_250 = arith.constant 0 : i32
      %cond3A_251 = arith.cmpi ne, %convert_element_type3A_249, %cond3A_250 : i32
      scf.if %cond3A_251 {
        %dma_start3A_280 = arith.constant 0 : i32
        %dma_start3A_281 = arith.constant 0 : i32
        %dma_start3A_282 = arith.constant 0 : i32
        %dma_start3A_283 = arith.constant 0 : i32
        %dma_start3A_284 = arith.constant 0 : i32
        %dma_start3A_285 = arith.constant 0 : i32
        %dma_start3A_286 = tpu.memref_slice %arg6[%dma_start3A_283, %dma_start3A_284, %dma_start3A_285] : memref<2x128x128xf32, #tpu.memory_space<vmem>> -> memref<1x128x128xf32, #tpu.memory_space<vmem>>
        %dma_start3A_287 = tpu.memref_squeeze %dma_start3A_286 : memref<1x128x128xf32, #tpu.memory_space<vmem>> -> memref<128x128xf32, #tpu.memory_space<vmem>>
        %dma_start3A_288 = arith.constant 0 : i32
        %dma_start3A_289 = tpu.memref_slice %arg5[%dma_start3A_280, %dma_start3A_281, %dma_start3A_282, %dma_start3A_288] : memref<2x2x2x128xi32, #tpu.memory_space<vmem>> -> memref<1x1x1x128xi32, #tpu.memory_space<vmem>>
        %dma_start3A_290 = tpu.memref_squeeze %dma_start3A_289 : memref<1x1x1x128xi32, #tpu.memory_space<vmem>> -> memref<128xi32, #tpu.memory_space<vmem>>
        %dma_start3A_291 = arith.constant 0 : i32
        %dma_start3A_292 = arith.constant 0 : i32
        %dma_start3A_293 = tpu.memref_slice %arg2[%dma_start3A_291, %dma_start3A_292] : memref<10000x128xf32, #tpu.memory_space<hbm>> -> memref<10000x128xf32, #tpu.memory_space<hbm>>
        tpu.enqueue_indirect_dma source(%dma_start3A_293 : memref<10000x128xf32, #tpu.memory_space<hbm>>) target(%dma_start3A_287 : memref<128x128xf32, #tpu.memory_space<vmem>>) offsets(%dma_start3A_290 : memref<128xi32, #tpu.memory_space<vmem>>) semaphore(%arg10 : memref<!tpu.dma_semaphore, #tpu.memory_space<semaphore_mem>>)
      } else {
      }
      %dma_wait3A_252 = arith.constant 1 : i32
      %dma_wait3A_253 = arith.constant 1 : i32
      %dma_wait3A_254 = arith.constant 0 : i32
      %dma_wait3A_255 = arith.constant 1 : i32
      %dma_wait3A_256 = arith.constant 0 : i32
      %dma_wait3A_257 = arith.constant 0 : i32
      %dma_wait3A_258 = tpu.memref_slice %arg6[%dma_wait3A_255, %dma_wait3A_256, %dma_wait3A_257] : memref<2x128x128xf32, #tpu.memory_space<vmem>> -> memref<1x128x128xf32, #tpu.memory_space<vmem>>
      %dma_wait3A_259 = tpu.memref_squeeze %dma_wait3A_258 : memref<1x128x128xf32, #tpu.memory_space<vmem>> -> memref<128x128xf32, #tpu.memory_space<vmem>>
      %dma_wait3A_260 = arith.constant 0 : i32
      %dma_wait3A_261 = tpu.memref_slice %arg5[%dma_wait3A_252, %dma_wait3A_253, %dma_wait3A_254, %dma_wait3A_260] : memref<2x2x2x128xi32, #tpu.memory_space<vmem>> -> memref<1x1x1x128xi32, #tpu.memory_space<vmem>>
      %dma_wait3A_262 = tpu.memref_squeeze %dma_wait3A_261 : memref<1x1x1x128xi32, #tpu.memory_space<vmem>> -> memref<128xi32, #tpu.memory_space<vmem>>
      %dma_wait3A_263 = arith.constant 0 : i32
      %dma_wait3A_264 = arith.constant 0 : i32
      %dma_wait3A_265 = tpu.memref_slice %arg2[%dma_wait3A_263, %dma_wait3A_264] : memref<10000x128xf32, #tpu.memory_space<hbm>> -> memref<10000x128xf32, #tpu.memory_space<hbm>>
      tpu.wait_indirect_dma semaphore(%arg11 : memref<!tpu.dma_semaphore, #tpu.memory_space<semaphore_mem>>) src(%dma_wait3A_265 : memref<10000x128xf32, #tpu.memory_space<hbm>>) dst(%dma_wait3A_259 : memref<128x128xf32, #tpu.memory_space<vmem>>)
      %dma_start3A_266 = arith.constant 1 : i32
      %dma_start3A_267 = arith.constant 1 : i32
      %dma_start3A_268 = arith.constant 1 : i32
      %dma_start3A_269 = arith.constant 1 : i32
      %dma_start3A_270 = arith.constant 0 : i32
      %dma_start3A_271 = arith.constant 0 : i32
      %dma_start3A_272 = tpu.memref_slice %arg6[%dma_start3A_266, %dma_start3A_270, %dma_start3A_271] : memref<2x128x128xf32, #tpu.memory_space<vmem>> -> memref<1x128x128xf32, #tpu.memory_space<vmem>>
      %dma_start3A_273 = tpu.memref_squeeze %dma_start3A_272 : memref<1x128x128xf32, #tpu.memory_space<vmem>> -> memref<128x128xf32, #tpu.memory_space<vmem>>
      %dma_start3A_274 = arith.constant 0 : i32
      %dma_start3A_275 = tpu.memref_slice %arg5[%dma_start3A_267, %dma_start3A_268, %dma_start3A_269, %dma_start3A_274] : memref<2x2x2x128xi32, #tpu.memory_space<vmem>> -> memref<1x1x1x128xi32, #tpu.memory_space<vmem>>
      %dma_start3A_276 = tpu.memref_squeeze %dma_start3A_275 : memref<1x1x1x128xi32, #tpu.memory_space<vmem>> -> memref<128xi32, #tpu.memory_space<vmem>>
      %dma_start3A_277 = arith.constant 0 : i32
      %dma_start3A_278 = arith.constant 0 : i32
      %dma_start3A_279 = tpu.memref_slice %arg9[%dma_start3A_277, %dma_start3A_278] : memref<10112x128xf32, #tpu.memory_space<vmem_shared>> -> memref<10112x128xf32, #tpu.memory_space<vmem_shared>>
      tpu.enqueue_indirect_dma source(%dma_start3A_273 : memref<128x128xf32, #tpu.memory_space<vmem>>) target(%dma_start3A_279 : memref<10112x128xf32, #tpu.memory_space<vmem_shared>>) offsets(%dma_start3A_276 : memref<128xi32, #tpu.memory_space<vmem>>) semaphore(%arg13 : memref<!tpu.dma_semaphore, #tpu.memory_space<semaphore_mem>>) {add = true}
    }
    %gt3A_59 = arith.constant 0 : i32
    "tpu.trace_stop"() : () -> ()
    %gt3A_60 = arith.cmpi sgt, %select_n3A_8, %gt3A_59 : i32
    %convert_element_type3A_61 = arith.extui %gt3A_60 : i1 to i32
    %cond3A_62 = arith.constant 0 : i32
    %cond3A_63 = arith.cmpi ne, %convert_element_type3A_61, %cond3A_62 : i32
    scf.if %cond3A_63 {
      %dma_wait3A = arith.constant 1 : i32
      %dma_wait3A_72 = arith.constant 0 : i32
      %dma_wait3A_73 = arith.constant 0 : i32
      %dma_wait3A_74 = tpu.memref_slice %arg6[%dma_wait3A, %dma_wait3A_72, %dma_wait3A_73] : memref<2x128x128xf32, #tpu.memory_space<vmem>> -> memref<1x128x128xf32, #tpu.memory_space<vmem>>
      %dma_wait3A_75 = tpu.memref_squeeze %dma_wait3A_74 : memref<1x128x128xf32, #tpu.memory_space<vmem>> -> memref<128x128xf32, #tpu.memory_space<vmem>>
      %dma_wait3A_76 = arith.constant 0 : i32
      %dma_wait3A_77 = arith.constant 0 : i32
      %dma_wait3A_78 = tpu.memref_slice %arg9[%dma_wait3A_76, %dma_wait3A_77] : memref<10112x128xf32, #tpu.memory_space<vmem_shared>> -> memref<10112x128xf32, #tpu.memory_space<vmem_shared>>
      tpu.wait_indirect_dma semaphore(%arg13 : memref<!tpu.dma_semaphore, #tpu.memory_space<semaphore_mem>>) src(%dma_wait3A_75 : memref<128x128xf32, #tpu.memory_space<vmem>>) dst(%dma_wait3A_78 : memref<10112x128xf32, #tpu.memory_space<vmem_shared>>)
    } else {
    }
    %barrier3A_64 = arith.constant 0 : index
    tpu.barrier barrier_id(%barrier3A_64)
    "tpu.trace_start"() <{level = 10 : i32, message = "writeout"}> : () -> ()
    %mul3A_65 = arith.constant 632 : i32
    %mul3A_66 = arith.muli %arg1, %mul3A_65 : i32
    %mul3A_67 = arith.constant 10112 : i32
    %mul3A_68 = arith.muli %arg0, %mul3A_67 : i32
    %mul3A_69 = arith.constant 632 : i32
    %mul3A_70 = arith.muli %arg1, %mul3A_69 : i32
    %add3A_71 = arith.addi %mul3A_68, %mul3A_70 : i32
    "tpu.region"() ({
      %run_scoped3A = tpu.sem_alloc : memref<!tpu.dma_semaphore, #tpu.memory_space<semaphore_mem>>
      %dma_start3A = arith.constant 0 : i32
      %dma_start3A_72 = tpu.memref_slice %arg4[%add3A_71, %dma_start3A] : memref<20224x128xf32, #tpu.memory_space<hbm>> -> memref<632x128xf32, #tpu.memory_space<hbm>>
      %dma_start3A_73 = arith.constant 0 : i32
      %dma_start3A_74 = tpu.memref_slice %arg9[%mul3A_66, %dma_start3A_73] : memref<10112x128xf32, #tpu.memory_space<vmem_shared>> -> memref<632x128xf32, #tpu.memory_space<vmem_shared>>
      tpu.enqueue_dma source(%dma_start3A_74 : memref<632x128xf32, #tpu.memory_space<vmem_shared>>) target(%dma_start3A_72 : memref<632x128xf32, #tpu.memory_space<hbm>>) target_semaphore(%run_scoped3A : memref<!tpu.dma_semaphore, #tpu.memory_space<semaphore_mem>>)
      %dma_wait3A = arith.constant 0 : i32
      %dma_wait3A_75 = tpu.memref_slice %arg4[%add3A_71, %dma_wait3A] : memref<20224x128xf32, #tpu.memory_space<hbm>> -> memref<632x128xf32, #tpu.memory_space<hbm>>
      %dma_wait3A_76 = arith.constant 0 : i32
      %dma_wait3A_77 = tpu.memref_slice %arg9[%mul3A_66, %dma_wait3A_76] : memref<10112x128xf32, #tpu.memory_space<vmem_shared>> -> memref<632x128xf32, #tpu.memory_space<vmem_shared>>
      tpu.wait_dma2 semaphore(%run_scoped3A : memref<!tpu.dma_semaphore, #tpu.memory_space<semaphore_mem>>) src(%dma_wait3A_77 : memref<632x128xf32, #tpu.memory_space<vmem_shared>>) dst(%dma_wait3A_75 : memref<632x128xf32, #tpu.memory_space<hbm>>)
      tpu.yield
    }) : () -> ()
    "tpu.trace_stop"() : () -> ()
    return
  }
}

module attributes {stable_mosaic.version = 14 : i64} {
  func.func @_mm_body(%arg0: i32, %arg1: memref<632x128xf32, #tpu.memory_space<vmem>>, %arg2: memref<632x128xf32, #tpu.memory_space<vmem>>, %arg3: memref<128x128xf32, #tpu.memory_space<vmem>>, %arg4: memref<632x128xf32, #tpu.memory_space<vmem>>) attributes {dimension_semantics = [#tpu.dimension_semantics<arbitrary>], iteration_bounds = array<i64: 16>, scalar_prefetch = 0 : i64, scratch_operands = 0 : i64, tpu.core_type = #tpu.core_type<tc>, window_params = [{transform_indices = @transform_0, window_bounds = array<i64: 632, 128>}, {transform_indices = @transform_1, window_bounds = array<i64: 632, 128>}, {pipeline_mode = #tpu.pipeline_mode<synchronous>, transform_indices = @transform_2, window_bounds = array<i64: 128, 128>}, {transform_indices = @transform_3, window_bounds = array<i64: 632, 128>}]} {
    %get3A = arith.constant 0 : index
    %get3A_0 = arith.constant 0 : index
    %get3A_1 = vector.load %arg1[%get3A, %get3A_0] : memref<632x128xf32, #tpu.memory_space<vmem>>, vector<632x128xf32>
    %get3A_2 = arith.constant 0 : index
    %get3A_3 = arith.constant 0 : index
    %get3A_4 = vector.load %arg2[%get3A_2, %get3A_3] : memref<632x128xf32, #tpu.memory_space<vmem>>, vector<632x128xf32>
    %add3A = arith.addf %get3A_1, %get3A_4 : vector<632x128xf32>
    %get3A_5 = arith.constant 0 : index
    %get3A_6 = arith.constant 0 : index
    %get3A_7 = vector.load %arg3[%get3A_5, %get3A_6] : memref<128x128xf32, #tpu.memory_space<vmem>>, vector<128x128xf32>
    %dot_general3A = arith.constant dense<0.000000e+00> : vector<632x128xf32>
    %dot_general3A_8 = tpu.matmul %add3A, %get3A_7, %dot_general3A {dimension_numbers = #tpu.dot_dimension_numbers<[1], [1], [0], [0], [0, 0, 1, 0], [], []>, transpose_lhs_hint = false} : vector<632x128xf32>, vector<128x128xf32>, vector<632x128xf32> -> vector<632x128xf32>
    %swap3A = arith.constant 0 : index
    %swap3A_9 = arith.constant 0 : index
    %swap3A_10 = vector.load %arg4[%swap3A, %swap3A_9] : memref<632x128xf32, #tpu.memory_space<vmem>>, vector<632x128xf32>
    tpu.vector_store %arg4[%swap3A, %swap3A_9], %dot_general3A_8 {strides = array<i32>} : memref<632x128xf32, #tpu.memory_space<vmem>>, vector<632x128xf32>,
    return
  }
  func.func @transform_0(%arg0: i32) -> (i32, i32) {
    %c0_i32 = arith.constant 0 : i32
    %c0_i32_0 = arith.constant 0 : i32
    return %arg0, %c0_i32 : i32, i32
  }
  func.func @transform_1(%arg0: i32) -> (i32, i32) {
    %add3A = arith.constant 16 : i32
    %add3A_0 = arith.addi %arg0, %add3A : i32
    %c0_i32 = arith.constant 0 : i32
    %c0_i32_1 = arith.constant 0 : i32
    return %add3A_0, %c0_i32 : i32, i32
  }
  func.func @transform_2(%arg0: i32) -> (i32, i32) {
    %c0_i32 = arith.constant 0 : i32
    %c0_i32_0 = arith.constant 0 : i32
    %c0_i32_1 = arith.constant 0 : i32
    return %c0_i32, %c0_i32_0 : i32, i32
  }
  func.func @transform_3(%arg0: i32) -> (i32, i32) {
    %c0_i32 = arith.constant 0 : i32
    %c0_i32_0 = arith.constant 0 : i32
    return %arg0, %c0_i32 : i32, i32
  }
}

</mosaic_0001>

<sc_bundles>
// kernel: kernel.4.cloned.1.call-start
scs
__scs_entry_jumppad:
0x0: {  	(pc) =	sbr.rel $0x88, $3  }
0x1: {  	(tag) =	ssettag $0x0;
	lr =	simm.s32 $0x1  }
0x2: {  	[smem:$0x3F9E] =	sst lr;
	_ =	strace $0xD0000000  }
0x3: {  	_ = 	snop  }
0x4: {  	_ = 	snop  }
0x5: {  	_ = 	snop  }
0x6: {  	_ = 	snop  }
0x7: {  	_ = 	snop  }
__scs_overlays_trampoline_lowered:
0x8: {  	[smem:$0x3FAD] =	sst s0  }
0x9: {  	[smem:$0x3FAE] =	sst s1  }
0xa: {  	[smem:$0x3FAF] =	sst s2  }
0xb: {  	[smem:$0x3FB0] =	sst s3  }
0xc: {  	[smem:$0x3FB1] =	sst s4  }
0xd: {  	[smem:$0x3FB2] =	sst s5  }
0xe: {  	[smem:$0x3FB3] =	sst s6  }
0xf: {  	[smem:$0x3FB4] =	sst s7  }
0x10: {  	[smem:$0x3FB5] =	sst s8  }
0x11: {  	[smem:$0x3FB6] =	sst s9;
	s0 =	simm.s32 @!p0 $0x0  }
0x12: {  	s1 =	sld [smem:$0x3F9C];
	s0 =	simm.s32 @p0 $0x1  }
0x13: {  	[smem:$0x3FB7] =	sst s0;
	s0 =	simm.s32 @!p1 $0x0  }
0x14: {  	s2 =	sld [smem:$0x3F9B];
	s0 =	simm.s32 @p1 $0x1  }
0x15: {  	[smem:$0x3FB8] =	sst s0;
	s0 =	simm.s32 @!p2 $0x0  }
0x16: {  	s3 =	sld [smem:$0x3FDB];
	s0 =	simm.s32 @p2 $0x1  }
0x17: {  	s4 =	simm.s32 $0x1BF5;
	[smem:$0x3FBA] =	sst s0  }
0x18: {  	s0 =	sld [smem:$0x3F9D];
	_ =	swait.ge [sflag:s4], $0x0  }
0x19: {  	s7 =	sld [smem:$0x3F9E]  }
0x1a: {  	s8 =	sadd.s32 $0xFFFFE003, lr  }
0x1b: {  	s9 =	sadd.s32 $0xFFFFFEF7, lr;
	s5 =	simm.s32 $0xFFFFFFFF;
	p2 =	slt.u32 s8, $0xFFFFF086  }
0x1c: {  	p1 =	slt.u32 s9, $0xF7A;
	s5 =	simm.s32 @!p2 $0x0  }
0x1d: {  	s5 =	simm.s32 @p1 $0x1;
	p0 =	seq.s32 s7, s2  }
0x1e: {  	s7 =	smul.u32 @!p0 $0xF7A, s2;
	p2 =	seq.s32 @!p0 s5, $0x0  }
0x1f: {  	s9 =	smul.u32 $0xF7A, s1;
	s8 =	simm.s32 @!p0 $0x1BF5;
	p2 =	por !p2, p0  }
0x20: {  	[sflag:s8] =	ssyncset.s32 @!p0 $0xFFFFF086;
	s6 =	sadd.s32 @!p0 s3, s7;
	s7 =	simm.s32 @!p0 $0x108  }
0x21: {  	s3 =	sadd.s32 s3, s9;
	s6 =	sadd.s32 @!p0 $0x88, s6;
	s7 =	simm.s32 @p2 $0x1082  }
0x22: {  	[simem:s7], [sflag:s8] =	dma.local @!p0 [hbm:s6], $0xF7A  }
0x23: {  	s9 =	sor.u32 $0xD0000000, s2;
	s6 =	simm.s32 $0x108;
	_ =	swait.ge @!p0 [sflag:s8], $0x0  }
0x24: {  	s3 =	sadd.s32 $0x88, s3;
	s6 =	simm.s32 @!p1 $0x1082;
	[sflag:s4] =	ssyncset.s32 $0xFFFFF086  }
0x25: {  	[simem:s6], [sflag:s4] =	dma.local [hbm:s3], $0xF7A  }
0x26: {  	[smem:$0x3F9E] =	sst s1;
	(tag) =	ssettag s2;
	_ =	strace s9  }
0x27: {  	s1 =	sld [smem:$0x3FAE]  }
0x28: {  	s2 =	sld [smem:$0x3FAF]  }
0x29: {  	s4 =	sld [smem:$0x3FB1]  }
0x2a: {  	p0 =	seq.s32 s5, $0x0;
	s5 =	sld [smem:$0x3FB2]  }
0x2b: {  	s6 =	sld [smem:$0x3FB3]  }
0x2c: {  	s7 =	sld [smem:$0x3FB4]  }
0x2d: {  	s3 =	simm.s32 $0x108;
	s8 =	sld [smem:$0x3FB5]  }
0x2e: {  	s3 =	simm.s32 @!p0 $0x1082;
	s9 =	sld [smem:$0x3FB6]  }
0x2f: {  	lr =	sadd.s32 s0, s3;
	s0 =	sld [smem:$0x3FAD]  }
0x30: {  	s3 =	sld [smem:$0x3FB0]  }
0x31: {  	[smem:$0x3FB9] =	sst s10  }
0x32: {  	s10 =	sld [smem:$0x3FB7];
	_ =	sdelay $0x3  }
0x33: {  	p0 =	seq.s32 s10, $0x1;
	s10 =	sld [smem:$0x3FB9];
	_ =	sdelay $0x3  }
0x34: {  	[smem:$0x3FB9] =	sst s10  }
0x35: {  	s10 =	sld [smem:$0x3FB8];
	_ =	sdelay $0x3  }
0x36: {  	p1 =	seq.s32 s10, $0x1;
	s10 =	sld [smem:$0x3FB9];
	_ =	sdelay $0x3  }
0x37: {  	[smem:$0x3FB9] =	sst s10  }
0x38: {  	s10 =	sld [smem:$0x3FBA]  }
0x39: {  	_ = 	snop;
	(pc) =	sbr.ind lr, $3  }
0x3a: {  	_ = 	snop  }
0x3b: {  	_ = 	snop  }
0x3c: {  	p2 =	seq.s32 s10, $0x1;
	s10 =	sld [smem:$0x3FB9]  }
0x3d: {  	_ =	shalt  }
0x3e: {  	_ =	shalt  }
0x3f: {  	_ =	shalt  }
0x40: {  	_ =	shalt  }
0x41: {  	_ =	shalt  }
0x42: {  	_ =	shalt  }
0x43: {  	_ =	shalt  }
0x44: {  	_ =	shalt  }
0x45: {  	_ =	shalt  }
0x46: {  	_ =	shalt  }
0x47: {  	_ =	shalt  }
0x48: {  	_ =	shalt  }
0x49: {  	_ =	shalt  }
0x4a: {  	_ =	shalt  }
0x4b: {  	_ =	shalt  }
0x4c: {  	_ =	shalt  }
0x4d: {  	_ =	shalt  }
0x4e: {  	_ =	shalt  }
0x4f: {  	_ =	shalt  }
0x50: {  	_ =	shalt  }
0x51: {  	_ =	shalt  }
0x52: {  	_ =	shalt  }
0x53: {  	_ =	shalt  }
0x54: {  	_ =	shalt  }
0x55: {  	_ =	shalt  }
0x56: {  	_ =	shalt  }
0x57: {  	_ =	shalt  }
0x58: {  	_ =	shalt  }
0x59: {  	_ =	shalt  }
0x5a: {  	_ =	shalt  }
0x5b: {  	_ =	shalt  }
0x5c: {  	_ =	shalt  }
0x5d: {  	_ =	shalt  }
0x5e: {  	_ =	shalt  }
0x5f: {  	_ =	shalt  }
0x60: {  	_ =	shalt  }
0x61: {  	_ =	shalt  }
0x62: {  	_ =	shalt  }
0x63: {  	_ =	shalt  }
0x64: {  	_ =	shalt  }
0x65: {  	_ =	shalt  }
0x66: {  	_ =	shalt  }
0x67: {  	_ =	shalt  }
0x68: {  	_ =	shalt  }
0x69: {  	_ =	shalt  }
0x6a: {  	_ =	shalt  }
0x6b: {  	_ =	shalt  }
0x6c: {  	_ =	shalt  }
0x6d: {  	_ =	shalt  }
0x6e: {  	_ =	shalt  }
0x6f: {  	_ =	shalt  }
0x70: {  	_ =	shalt  }
0x71: {  	_ =	shalt  }
0x72: {  	_ =	shalt  }
0x73: {  	_ =	shalt  }
0x74: {  	_ =	shalt  }
0x75: {  	_ =	shalt  }
0x76: {  	_ =	shalt  }
0x77: {  	_ =	shalt  }
0x78: {  	_ =	shalt  }
0x79: {  	_ =	shalt  }
0x7a: {  	_ =	shalt  }
0x7b: {  	_ =	shalt  }
0x7c: {  	_ =	shalt  }
0x7d: {  	_ =	shalt  }
0x7e: {  	_ =	shalt  }
0x7f: {  	_ =	shalt  }
0x80: {  	_ =	shalt  }
0x81: {  	_ =	shalt  }
0x82: {  	_ =	shalt  }
0x83: {  	_ =	shalt  }
0x84: {  	_ =	shalt  }
0x85: {  	_ =	shalt  }
0x86: {  	_ =	shalt  }
0x87: {  	_ =	shalt  }
.Lfunc_end0:
.L_simem_size_0:
called_computation_lowered:
.L_overlay_start_0:
0x88: {  	s2 =	sld [smem:$0x3FD9]  }
0x89: {  	s3 =	sld [smem:$0x3FFE];
	_ =	sdelay $0x1  }
0x8a: {  	s1 =	srdreg.scid  }
0x8b: {  	s0 =	sand.u32 $0x1, s1  }
0x8c: {  	s17 =	sshll.u32 s0, $0xA;
	s2 =	sadd.s32 s3, s2  }
0x8d: {  	s2 =	sadd.s32 s2, s17  }
0x8e: {  	[smem:$0x3FC5] =	sst s2  }
0x8f: {  	_ = 	snop  }
0x90: {  	s2 =	sld [smem:$0x3FC9]  }
0x91: {  	s18 =	sld [smem:$0x3FD0];
	(tm) =	ssettm $0x1  }
0x92: {  	s4 =	sld [smem:$0x3FFB];
	_ =	sdelay $0x3  }
0x93: {  	_ =	strace s4  }
0x94: {  	s4 =	sld [smem:$0x3FFC];
	_ =	sdelay $0x3  }
0x95: {  	_ =	strace s4  }
0x96: {  	s4 =	sld [smem:$0x3FFD];
	_ =	sdelay $0x3  }
0x97: {  	_ =	strace s4  }
0x98: {  	_ =	strace $0x8FFFFFFF  }
0x99: {  	s19 =	sld [smem:$0x3FDB];
	_ =	sdelay $0x1  }
0x9a: {  	s5 =	simm.s32 $_scs_section_size  }
0x9b: {  	s6 =	simm.s32 $_size__tile_overlayer_lowered;
	s7 =	simm.s32 $_tile_overlayer_lowered  }
0x9c: {  	s22 =	simm.s32 $0x1BFF;
	s21 =	sshll.u32 s7, $0x1;
	s4 =	sadd.s32 s5, s19  }
0x9d: {  	s8 =	simm.s32 $0x0;
	s20 =	sshll.u32 s6, $0x1;
	s6 =	sadd.s32 s21, s4  }
0x9e: {  	[timem:s8], [sflag:s22] =	dma.local [hbm:s6], s20  }
0x9f: {  	_ =	swait.ge [sflag:s22], s20  }
0xa0: {  	s5 =	ssub.s32 $0x0, s20;
	[sflag:s22] =	ssyncset.done $0x0  }
0xa1: {  	[sflag:s22] =	ssyncadd.s32 s5;
	_ =	sdelay $0x1  }
0xa2: {  	s23 =	simm.s32 $0x1B8B  }
0xa3: {  	_ =	swait.ge [sflag:s23], $0x1  }
0xa4: {  	[sflag:s23] =	ssyncset.done $0x0  }
0xa5: {  	s25 =	simm.s32 $0x1B8E;
	s24 =	sld [smem:$0x3FFE];
	[sflag:s23] =	ssyncadd.s32 $0xFFFFFFFF  }
0xa6: {  	s26 =	simm.s32 $execute0_lowered;
	[smem:$0x3FD2] =	sst s25  }
0xa7: {  	s6 =	sshll.u32 s26, $0x1;
	_ =	strace $0x80000046;
	[dreg:$0x1] =	wrdreg $0xFFFFFFFF  }
0xa8: {  	s28 =	simm.s32 $_size_execute0_lowered;
	s4 =	sadd.s32 s4, s6;
	[dreg:$0x0] =	wrdreg $0x0  }
0xa9: {  	s6 =	sshll.u32 s28, $0x1;
	[dreg:$0x2] =	wrdreg s4  }
0xaa: {  	[dreg:$0x3] =	wrdreg s6  }
0xab: {  	[dreg:$0x4] =	wrdreg $0xC0  }
0xac: {  	_ =	task [dreg:s8], $0x5FFFF  }
0xad: {  	[dreg:$0x1] =	wrdreg $0xFFFFFFFF  }
0xae: {  	[dreg:$0x0] =	wrdreg $0x60  }
0xaf: {  	[dreg:$0x2] =	wrdreg s2  }
0xb0: {  	[dreg:$0x3] =	wrdreg s18  }
0xb1: {  	[dreg:$0x4] =	wrdreg s24  }
0xb2: {  	[dreg:$0x5] =	wrdreg $0xAC800  }
0xb3: {  	[dreg:$0x6] =	wrdreg $0x9  }
0xb4: {  	_ =	task.clear_ibuf [dreg:s8], $0x7FFFF;
	_ =	strace $0x90000046  }
0xb5: {  	s29 =	simm.s32 $0x9;
	_ =	strace $0x8000004B  }
0xb6: {  	_ =	swait.ge [sflag:s29], $0x1  }
0xb7: {  	[sflag:s29] =	ssyncadd.s32 $0xFFFFFFFF  }
0xb8: {  	_ =	strace $0x9000004B  }
0xb9: {  	_ =	sfence  }
0xba: {  	s30 =	sld [smem:$0x0];
	_ =	sdelay $0x2  }
0xbb: {  	s31 =	sshll.u32 s1, $0xD;
	s1 =	sshrl.u32 s1, $0x2  }
0xbc: {  	s3 =	sand.u32 $0x4000, s31;
	s1 =	sadd.s32 s1, s30  }
0xbd: {  	s0 =	sor.u32 s3, s0;
	s1 =	sshll.u32 s1, $0x11  }
0xbe: {  	s0 =	sor.u32 s1, s0  }
0xbf: {  	s0 =	sadd.s32 $0x8F2B, s0  }
0xc0: {  	[sflag:s0] =	ssyncadd.remote.s32 $0x1  }
0xc1: {  	_ =	sfence.sel $0xFFFF  }
0xc2: {  	[dreg:$0x0] =	wrdreg $0xFFFFFFFF;
	(pc) =	sbr.abs _section_cstart, $3  }
0xc3: {  	[dreg:$0x1] =	wrdreg $0xFFFFFFFF  }
0xc4: {  	_ =	task.clear_ibuf [dreg:s8], $0x2FFFF;
	_ =	strace $0x9FFFFFFF  }
0xc5: {  	(tm) =	ssettm $0x7FFFFFFF  }
tec
execute0_lowered:
.L_overlay_start_1:
0x0: {  	(tag) =	ssettag $0x1  }
0x1: {  	s1 =	rddreg [dreg:$0x0]  }
0x2: {  	s2 =	rddreg [dreg:$0x1]  }
0x3: {  	s11 =	rddreg [dreg:$0x2];
	s0 =	srdreg.scid  }
0x4: {  	s3 =	rddreg [dreg:$0x3];
	s4 =	simm.s32 $0x0;
	s5 =	stileid.u32  }
0x5: {  	s10 =	simm.s32 $0x40;
	s20 =	simm.s32 $0x8400;
	s30 =	simm.s32 $0x180  }
0x6: {  	s31 =	simm.s32 $0x380;
	s28 =	simm.s32 $0x2;
	s29 =	simm.s32 $0x0  }
0x7: {  	s0 =	sand.u32 $0x1, s0;
	[smem:$0x7FF] =	sst s4;
	s22 =	smul.u32 $0x4F000, s5  }
0x8: {  	s21 =	sshll.u32 s5, $0x5;
	s8 =	sshll.u32 s5, $0x7;
	s14 =	smul.u32 $0x2780, s5  }
0x9: {  	s16 =	sadd.s32 $0x40, s2;
	s6 =	ssub.s32 $0x2, s0;
	_ =	strace $0x80000047  }
0xa: {  	p0 =	seq.s32 s0, $0x0;
	s12 =	sor.u32 $0x800, s21;
	[dreg:$0x5] =	wrdreg s16  }
0xb: {  	s15 =	smul.u32 $0x27800, s0;
	s21 =	simm.s32 $0x5;
	[dreg:$0x6] =	wrdreg s30  }
0xc: {  	[dreg:$0x7] =	wrdreg s31;
	s7 =	sshrl.u32 s6, $0x1;
	s12 =	smov.u32 @p0 s8  }
0xd: {  	s10 =	simm.s32 @!p0 $0x10;
	s23 =	sshrl.u32 s22, $0x2;
	s22 =	simm.s32 $0x80  }
0xe: {  	s13 =	ssub.s32 s6, s7;
	s6 =	sadd.s32 s23, s3;
	s8 =	sshll.u32 s12, $0x5  }
0xf: {  	s9 =	sshrl.u32 s10, $0x1;
	s10 =	sadd.s32 $0xFFFFFFFF, s10;
	s0 =	sshll.u32 s12, $0x8  }
0x10: {  	s26 =	sadd.s32 s14, s15;
	s24 =	sadd.s32 $0x11800, s6;
	s25 =	sadd.s32 s2, s8  }
0x11: {  	s12 =	sadd.s32 s11, s26;
	s13 =	smax.u32 s13, $0x1;
	s14 =	sadd.s32 $0x2800, s6  }
0x12: {  	s15 =	sadd.s32 $0x5000, s6;
	s16 =	sadd.s32 $0x7800, s6;
	s17 =	sadd.s32 $0xA000, s6  }
0x13: {  	s18 =	sadd.s32 $0xC800, s6;
	s19 =	sadd.s32 $0xF000, s6;
	[dreg:$0x8] =	wrdreg s24  }
0x14: {  	v0 =	vimm.f32 $0.0e+00;
	v1 =	vimm.s32 $0x2710;
	s26 =	simm.s32 $0x4;
	[dreg:$0x9] =	wrdreg s25;
	s25 =	simm.s32 $0x4400  }
.LBB2_1:
0x15: {  	s11 =	sand.u32 $0xFE00, s4  }
0x16: {  	s23 =	sand.u32 $0x70, s4;
	s30 =	sshrl.u32 s11, $0x2  }
0x17: {  	s11 =	simm.s32 $0x40;
	s30 =	sor.u32 s23, s30;
	s23 =	simm.s32 $0x0  }
.LBB2_2:
0x18: {  	p0 =	sne.s32 s11, $0x9FC0  }
0x19: {  	[tilespmem:s30+$0x8400] =	vst v0;
	s23 =	sadd.s32 $0x10, s23;
	s30 =	smov.u32 s11;
	s11 =	sadd.s32 $0x40, s11  }
.Ltmp0:
0x1a: {  	(pc) =	sbr.rel @p0 .LBB2_2-.Ltmp0, $4  }
0x1b: {  	_ = 	snop  }
0x1c: {  	s30 =	sand.u32 $0xFE00, s30  }
0x1d: {  	s31 =	sand.u32 $0x70, s23;
	s30 =	sshrl.u32 s30, $0x2  }
0x1e: {  	s30 =	sor.u32 s31, s30  }
0x1f: {  	[tilespmem:s30+$0x8400] =	vst v0  }
0x20: {  	_ =	strace $0x80000048  }
0x21: {  	[spmem:s6] =	stream.linear.scatter [tilespmem:s20], [sflag:$0x5], $0x2800, $0x200038;
	[tilespmem:$0x1E880] =	vst v63  }
0x22: {  	_ =	swait.ge [sflag:s21], $0x2800  }
0x23: {  	[sflag:s21] =	ssyncset.done $0x0  }
0x24: {  	[sflag:s21] =	ssyncadd.s32 $0xFFFFD800  }
0x25: {  	[spmem:s14] =	stream.linear.scatter [tilespmem:s20], [sflag:$0x5], $0x2800, $0x200038;
	[tilespmem:$0x1E880] =	vst v63  }
0x26: {  	_ =	swait.ge [sflag:s21], $0x2800  }
0x27: {  	[sflag:s21] =	ssyncset.done $0x0  }
0x28: {  	[sflag:s21] =	ssyncadd.s32 $0xFFFFD800  }
0x29: {  	[spmem:s15] =	stream.linear.scatter [tilespmem:s20], [sflag:$0x5], $0x2800, $0x200038;
	[tilespmem:$0x1E880] =	vst v63  }
0x2a: {  	_ =	swait.ge [sflag:s21], $0x2800  }
0x2b: {  	[sflag:s21] =	ssyncset.done $0x0  }
0x2c: {  	[sflag:s21] =	ssyncadd.s32 $0xFFFFD800  }
0x2d: {  	[spmem:s16] =	stream.linear.scatter [tilespmem:s20], [sflag:$0x5], $0x2800, $0x200038;
	[tilespmem:$0x1E880] =	vst v63  }
0x2e: {  	_ =	swait.ge [sflag:s21], $0x2800  }
0x2f: {  	[sflag:s21] =	ssyncset.done $0x0  }
0x30: {  	[sflag:s21] =	ssyncadd.s32 $0xFFFFD800  }
0x31: {  	[spmem:s17] =	stream.linear.scatter [tilespmem:s20], [sflag:$0x5], $0x2800, $0x200038;
	[tilespmem:$0x1E880] =	vst v63  }
0x32: {  	_ =	swait.ge [sflag:s21], $0x2800  }
0x33: {  	[sflag:s21] =	ssyncset.done $0x0  }
0x34: {  	[sflag:s21] =	ssyncadd.s32 $0xFFFFD800  }
0x35: {  	[spmem:s18] =	stream.linear.scatter [tilespmem:s20], [sflag:$0x5], $0x2800, $0x200038;
	[tilespmem:$0x1E880] =	vst v63  }
0x36: {  	_ =	swait.ge [sflag:s21], $0x2800  }
0x37: {  	[sflag:s21] =	ssyncset.done $0x0  }
0x38: {  	[sflag:s21] =	ssyncadd.s32 $0xFFFFD800  }
0x39: {  	[spmem:s19] =	stream.linear.scatter [tilespmem:s20], [sflag:$0x5], $0x2800, $0x200038;
	[tilespmem:$0x1E880] =	vst v63  }
0x3a: {  	_ =	swait.ge [sflag:s21], $0x2800  }
0x3b: {  	[sflag:s21] =	ssyncset.done $0x0  }
0x3c: {  	s5 =	rddreg [dreg:$0x8];
	[sflag:s21] =	ssyncadd.s32 $0xFFFFD800  }
0x3d: {  	[spmem:s5] =	stream.linear.scatter [tilespmem:s20], [sflag:$0x5], $0x2400, $0x200038;
	[tilespmem:$0x1E880] =	vst v63  }
0x3e: {  	_ =	swait.ge [sflag:s21], $0x2400  }
0x3f: {  	[sflag:s21] =	ssyncset.done $0x0  }
0x40: {  	[sflag:s21] =	ssyncadd.s32 $0xFFFFDC00  }
0x41: {  	_ =	strace $0x90000048;
	[tilespmem:$0xAC00] =	vst v1  }
0x42: {  	[tilespmem:$0xAC10] =	vst v1  }
0x43: {  	[tilespmem:$0xAC20] =	vst v1  }
0x44: {  	[tilespmem:$0xAC30] =	vst v1  }
0x45: {  	[tilespmem:$0xAC40] =	vst v1  }
0x46: {  	[tilespmem:$0xAC50] =	vst v1  }
0x47: {  	[tilespmem:$0xAC60] =	vst v1  }
0x48: {  	[tilespmem:$0xAC70] =	vst v1;
	s8 =	rddreg [dreg:$0x9]  }
0x49: {  	[tilespmem:s4], [sflag:$0x5] =	stream.linear.gather [hbm4b:s8+s4], $0x200, $0x38;
	[tilespmem:$0x1E880] =	vst v63  }
0x4a: {  	_ =	swait.ge [sflag:s21], $0x200  }
0x4b: {  	[sflag:s21] =	ssyncset.done $0x0  }
0x4c: {  	s11 =	simm.s32 $0x400;
	[sflag:s21] =	ssyncadd.s32 $0xFFFFFE00  }
0x4d: {  	[tilespmem:s11], [sflag:$0x1] =	stream.indirect.gather [hbm4b:s1+s22], $0x80, s4, s22, $0xb8;
	[tilespmem:$0x1E880] =	vst v63  }
0x4e: {  	s23 =	simm.s32 $0xAC00  }
0x4f: {  	[spmem:s3] =	stream.indirect.scatter.add.f32 [tilespmem:s25], [sflag:$0x4], $0x80, s23, s22, $0xb8;
	[tilespmem:$0x1E880] =	vst v63  }
0x50: {  	[bflag:$0x0] =	sbarrier.arrive $0xFFFF  }
0x51: {  	_ =	strace $0x80000049  }
0x52: {  	p0 =	sle.s32 s10, $0x0;
	_ =	swait.ge [sflag:s26], $0x4000  }
0x53: {  	s30 =	simm.s32 @p0 $0x4400;
	s31 =	simm.s32 @p0 $0x1;
	[sflag:s26] =	ssyncset.done $0x0  }
0x54: {  	s11 =	simm.s32 @p0 $0x80;
	s23 =	simm.s32 @p0 $0x100;
	[sflag:s26] =	ssyncadd.s32 $0xFFFFC000  }
0x55: {  	[tilespmem:s30], [sflag:$0x2] =	stream.indirect.gather @p0 [hbm4b:s1+s11], $0x80, s23, s11, $0x2000b8;
	[tilespmem:$0x1E880] =	vst v63  }
0x56: {  	_ =	swait.ge @p0 [sflag:s31], $0x4000  }
0x57: {  	[sflag:s31] =	ssyncset.done @p0 $0x0  }
0x58: {  	s23 =	simm.s32 @p0 $0x400;
	s30 =	simm.s32 @p0 $0x3;
	[sflag:s31] =	ssyncadd.s32 @p0 $0xFFFFC000  }
0x59: {  	[spmem:s3] =	stream.indirect.scatter.add.f32 @p0 [tilespmem:s23], [sflag:$0x3], $0x80, s11, s11, $0x2000b8;
	[tilespmem:$0x1E880] =	vst v63  }
0x5a: {  	_ =	swait.ge @p0 [sflag:s30], $0x4000  }
0x5b: {  	s31 =	simm.s32 @!p0 $0x200;
	[sflag:s30] =	ssyncset.done @p0 $0x0  }
0x5c: {  	s23 =	sshrl.u32 @!p0 s0, $0x3;
	s11 =	rddreg [dreg:$0x5];
	[sflag:s30] =	ssyncadd.s32 @p0 $0xFFFFC000  }
0x5d: {  	s30 =	simm.s32 @!p0 $0x0;
	s11 =	sadd.s32 @!p0 s23, s11;
	s23 =	simm.s32 @!p0 $0x5  }
0x5e: {  	[tilespmem:s31], [sflag:$0x5] =	stream.linear.gather @!p0 [hbm4b:s11+s30], $0x200, $0x200038;
	[tilespmem:$0x1E880] =	vst v63  }
0x5f: {  	_ =	swait.ge @!p0 [sflag:s23], $0x200  }
0x60: {  	s11 =	simm.s32 @!p0 $0x4400;
	[sflag:s23] =	ssyncset.done @!p0 $0x0  }
0x61: {  	s30 =	simm.s32 @!p0 $0x80;
	[sflag:s23] =	ssyncadd.s32 @!p0 $0xFFFFFE00;
	s23 =	simm.s32 @!p0 $0x100  }
0x62: {  	[tilespmem:s11], [sflag:$0x2] =	stream.indirect.gather @!p0 [hbm4b:s1+s30], $0x80, s23, s30, $0x2000b8;
	[tilespmem:$0x1E880] =	vst v63  }
0x63: {  	s11 =	simm.s32 @!p0 $0x1  }
0x64: {  	_ =	swait.ge @!p0 [sflag:s11], $0x4000  }
0x65: {  	[sflag:s11] =	ssyncset.done @!p0 $0x0  }
0x66: {  	s23 =	simm.s32 @!p0 $0x400;
	[sflag:s11] =	ssyncadd.s32 @!p0 $0xFFFFC000;
	s11 =	simm.s32 @!p0 $0x3  }
0x67: {  	[spmem:s3] =	stream.indirect.scatter.add.f32 @!p0 [tilespmem:s23], [sflag:$0x3], $0x80, s30, s30, $0x2000b8;
	[tilespmem:$0x1E880] =	vst v63  }
0x68: {  	_ =	swait.ge @!p0 [sflag:s11], $0x4000  }
0x69: {  	[sflag:s11] =	ssyncset.done @!p0 $0x0  }
0x6a: {  	[sflag:s11] =	ssyncadd.s32 @!p0 $0xFFFFC000  }
0x6b: {  	[tilespmem:s23], [sflag:$0x1] =	stream.indirect.gather @!p0 [hbm4b:s1+s30], $0x80, s31, s30, $0x2000b8;
	[tilespmem:$0x1E880] =	vst v63  }
0x6c: {  	_ =	swait.ge [sflag:s28], $0x4000  }
0x6d: {  	[sflag:s28] =	ssyncset.done $0x0  }
0x6e: {  	s24 =	rddreg [dreg:$0x6];
	[sflag:s28] =	ssyncadd.s32 $0xFFFFC000  }
0x6f: {  	[spmem:s3] =	stream.indirect.scatter.add.f32 [tilespmem:s25], [sflag:$0x4], $0x80, s24, s22, $0x2000b8;
	[tilespmem:$0x1E880] =	vst v63  }
0x70: {  	p0 =	sle.s32 s10, $0x1;
	_ =	swait.ge [sflag:s26], $0x4000  }
0x71: {  	s11 =	simm.s32 @p0 $0x80;
	s23 =	simm.s32 @p0 $0x4400;
	[sflag:s26] =	ssyncset.done $0x0  }
0x72: {  	s30 =	simm.s32 @p0 $0x300;
	s31 =	simm.s32 @p0 $0x1;
	[sflag:s26] =	ssyncadd.s32 $0xFFFFC000  }
0x73: {  	[tilespmem:s23], [sflag:$0x2] =	stream.indirect.gather @p0 [hbm4b:s1+s11], $0x80, s30, s11, $0x2000b8;
	[tilespmem:$0x1E880] =	vst v63  }
0x74: {  	_ =	swait.ge @p0 [sflag:s31], $0x4000  }
0x75: {  	[sflag:s31] =	ssyncset.done @p0 $0x0  }
0x76: {  	s23 =	simm.s32 @p0 $0x280;
	s30 =	simm.s32 @p0 $0x400;
	[sflag:s31] =	ssyncadd.s32 @p0 $0xFFFFC000  }
0x77: {  	[spmem:s3] =	stream.indirect.scatter.add.f32 @p0 [tilespmem:s30], [sflag:$0x3], $0x80, s23, s11, $0x2000b8;
	[tilespmem:$0x1E880] =	vst v63  }
0x78: {  	s23 =	simm.s32 @p0 $0x3  }
0x79: {  	s11 =	sadd.s32 @!p0 $0x400, s0;
	_ =	swait.ge @p0 [sflag:s23], $0x4000  }
0x7a: {  	s30 =	simm.s32 @!p0 $0x0;
	s11 =	sshrl.u32 @!p0 s11, $0x3;
	[sflag:s23] =	ssyncset.done @p0 $0x0  }
0x7b: {  	s11 =	sadd.s32 @!p0 s2, s11;
	[sflag:s23] =	ssyncadd.s32 @p0 $0xFFFFC000;
	s23 =	simm.s32 @!p0 $0x5  }
0x7c: {  	[tilespmem:s30], [sflag:$0x5] =	stream.linear.gather @!p0 [hbm4b:s11+s30], $0x200, $0x200038;
	[tilespmem:$0x1E880] =	vst v63  }
0x7d: {  	_ =	swait.ge @!p0 [sflag:s23], $0x200  }
0x7e: {  	s31 =	simm.s32 @!p0 $0x80;
	[sflag:s23] =	ssyncset.done @!p0 $0x0  }
0x7f: {  	s11 =	simm.s32 @!p0 $0x4400;
	[sflag:s23] =	ssyncadd.s32 @!p0 $0xFFFFFE00;
	s23 =	simm.s32 @!p0 $0x300  }
0x80: {  	[tilespmem:s11], [sflag:$0x2] =	stream.indirect.gather @!p0 [hbm4b:s1+s31], $0x80, s23, s31, $0x2000b8;
	[tilespmem:$0x1E880] =	vst v63  }
0x81: {  	s11 =	simm.s32 @!p0 $0x1  }
0x82: {  	_ =	swait.ge @!p0 [sflag:s11], $0x4000  }
0x83: {  	[sflag:s11] =	ssyncset.done @!p0 $0x0  }
0x84: {  	s23 =	simm.s32 @!p0 $0x280;
	[sflag:s11] =	ssyncadd.s32 @!p0 $0xFFFFC000;
	s11 =	simm.s32 @!p0 $0x400  }
0x85: {  	[spmem:s3] =	stream.indirect.scatter.add.f32 @!p0 [tilespmem:s11], [sflag:$0x3], $0x80, s23, s31, $0x2000b8;
	[tilespmem:$0x1E880] =	vst v63  }
0x86: {  	s23 =	simm.s32 @!p0 $0x3  }
0x87: {  	_ =	swait.ge @!p0 [sflag:s23], $0x4000  }
0x88: {  	[sflag:s23] =	ssyncset.done @!p0 $0x0  }
0x89: {  	[sflag:s23] =	ssyncadd.s32 @!p0 $0xFFFFC000  }
0x8a: {  	[tilespmem:s11], [sflag:$0x1] =	stream.indirect.gather @!p0 [hbm4b:s1+s31], $0x80, s30, s31, $0x2000b8;
	[tilespmem:$0x1E880] =	vst v63  }
0x8b: {  	s30 =	sadd.s32 $0xFFFFFFFF, s9  }
0x8c: {  	p0 =	sne.s32 s30, $0x0  }
.Ltmp1:
0x8d: {  	_ = 	snop;
	(pc) =	sbr.rel @!p0 .LBB2_5-.Ltmp1, $4  }
0x8e: {  	_ = 	snop  }
0x8f: {  	_ =	swait.ge [sflag:s28], $0x4000  }
0x90: {  	s31 =	simm.s32 $0x3;
	[sflag:s28] =	ssyncset.done $0x0  }
0x91: {  	s11 =	smov.u32 s0;
	s23 =	rddreg [dreg:$0x7];
	[sflag:s28] =	ssyncadd.s32 $0xFFFFC000  }
.LBB2_4:
0x92: {  	s24 =	sadd.s32 $0xFFFFFFFF, s31  }
0x93: {  	[spmem:s3] =	stream.indirect.scatter.add.f32 [tilespmem:s25], [sflag:$0x4], $0x80, s23, s22, $0x2000b8;
	[tilespmem:$0x1E880] =	vst v63  }
0x94: {  	_ =	swait.ge [sflag:s26], $0x4000;
	p1 =	sge.s32 s24, s10  }
0x95: {  	[sflag:s26] =	ssyncset.done $0x0;
	s23 =	simm.s32 @p1 $0x80;
	s24 =	simm.s32 @p1 $0x100  }
0x96: {  	s5 =	simm.s32 @p1 $0x4400;
	s7 =	simm.s32 @p1 $0x1;
	[sflag:s26] =	ssyncadd.s32 $0xFFFFC000  }
0x97: {  	[tilespmem:s5], [sflag:$0x2] =	stream.indirect.gather @p1 [hbm4b:s1+s23], $0x80, s24, s23, $0x2000b8;
	[tilespmem:$0x1E880] =	vst v63  }
0x98: {  	_ =	swait.ge @p1 [sflag:s7], $0x4000  }
0x99: {  	[sflag:s7] =	ssyncset.done @p1 $0x0  }
0x9a: {  	s5 =	simm.s32 @p1 $0x400;
	[sflag:s7] =	ssyncadd.s32 @p1 $0xFFFFC000;
	s7 =	simm.s32 @p1 $0x3  }
0x9b: {  	[spmem:s3] =	stream.indirect.scatter.add.f32 @p1 [tilespmem:s5], [sflag:$0x3], $0x80, s23, s23, $0x2000b8;
	[tilespmem:$0x1E880] =	vst v63  }
0x9c: {  	_ =	swait.ge @p1 [sflag:s7], $0x4000  }
0x9d: {  	s11 =	sadd.s32 $0x400, s11;
	s24 =	simm.s32 @!p1 $0x200;
	[sflag:s7] =	ssyncset.done @p1 $0x0  }
0x9e: {  	s5 =	rddreg [dreg:$0x5];
	[sflag:s7] =	ssyncadd.s32 @p1 $0xFFFFC000;
	s7 =	sshrl.u32 @!p1 s11, $0x3  }
0x9f: {  	s23 =	simm.s32 @!p1 $0x0;
	s5 =	sadd.s32 @!p1 s7, s5;
	s7 =	simm.s32 @!p1 $0x5  }
0xa0: {  	[tilespmem:s24], [sflag:$0x5] =	stream.linear.gather @!p1 [hbm4b:s5+s23], $0x200, $0x200038;
	[tilespmem:$0x1E880] =	vst v63  }
0xa1: {  	_ =	swait.ge @!p1 [sflag:s7], $0x200  }
0xa2: {  	s8 =	simm.s32 @!p1 $0x100;
	s5 =	simm.s32 @!p1 $0x4400;
	[sflag:s7] =	ssyncset.done @!p1 $0x0  }
0xa3: {  	s23 =	simm.s32 @!p1 $0x80;
	[sflag:s7] =	ssyncadd.s32 @!p1 $0xFFFFFE00;
	s7 =	simm.s32 @!p1 $0x1  }
0xa4: {  	[tilespmem:s5], [sflag:$0x2] =	stream.indirect.gather @!p1 [hbm4b:s1+s23], $0x80, s8, s23, $0x2000b8;
	[tilespmem:$0x1E880] =	vst v63  }
0xa5: {  	_ =	swait.ge @!p1 [sflag:s7], $0x4000  }
0xa6: {  	[sflag:s7] =	ssyncset.done @!p1 $0x0  }
0xa7: {  	s5 =	simm.s32 @!p1 $0x400;
	[sflag:s7] =	ssyncadd.s32 @!p1 $0xFFFFC000;
	s7 =	simm.s32 @!p1 $0x3  }
0xa8: {  	[spmem:s3] =	stream.indirect.scatter.add.f32 @!p1 [tilespmem:s5], [sflag:$0x3], $0x80, s23, s23, $0x2000b8;
	[tilespmem:$0x1E880] =	vst v63  }
0xa9: {  	_ =	swait.ge @!p1 [sflag:s7], $0x4000  }
0xaa: {  	[sflag:s7] =	ssyncset.done @!p1 $0x0  }
0xab: {  	[sflag:s7] =	ssyncadd.s32 @!p1 $0xFFFFC000  }
0xac: {  	[tilespmem:s5], [sflag:$0x1] =	stream.indirect.gather @!p1 [hbm4b:s1+s23], $0x80, s24, s23, $0x2000b8;
	[tilespmem:$0x1E880] =	vst v63  }
0xad: {  	_ =	swait.ge [sflag:s28], $0x4000  }
0xae: {  	[sflag:s28] =	ssyncset.done $0x0  }
0xaf: {  	s24 =	rddreg [dreg:$0x6];
	[sflag:s28] =	ssyncadd.s32 $0xFFFFC000  }
0xb0: {  	[spmem:s3] =	stream.indirect.scatter.add.f32 [tilespmem:s25], [sflag:$0x4], $0x80, s24, s22, $0x2000b8;
	[tilespmem:$0x1E880] =	vst v63  }
0xb1: {  	p1 =	sge.s32 s31, s10;
	_ =	swait.ge [sflag:s26], $0x4000  }
0xb2: {  	s5 =	simm.s32 @p1 $0x80;
	s7 =	simm.s32 @p1 $0x4400;
	[sflag:s26] =	ssyncset.done $0x0  }
0xb3: {  	s8 =	simm.s32 @p1 $0x300;
	s23 =	simm.s32 @p1 $0x1;
	[sflag:s26] =	ssyncadd.s32 $0xFFFFC000  }
0xb4: {  	[tilespmem:s7], [sflag:$0x2] =	stream.indirect.gather @p1 [hbm4b:s1+s5], $0x80, s8, s5, $0x2000b8;
	[tilespmem:$0x1E880] =	vst v63  }
0xb5: {  	_ =	swait.ge @p1 [sflag:s23], $0x4000  }
0xb6: {  	s24 =	simm.s32 @p1 $0x400;
	s7 =	sadd.s32 @!p1 $0x400, s11;
	[sflag:s23] =	ssyncset.done @p1 $0x0  }
0xb7: {  	s8 =	simm.s32 @p1 $0x280;
	[sflag:s23] =	ssyncadd.s32 @p1 $0xFFFFC000;
	s23 =	simm.s32 @p1 $0x3  }
0xb8: {  	[spmem:s3] =	stream.indirect.scatter.add.f32 @p1 [tilespmem:s24], [sflag:$0x3], $0x80, s8, s5, $0x2000b8;
	[tilespmem:$0x1E880] =	vst v63  }
0xb9: {  	s7 =	sshrl.u32 @!p1 s7, $0x3;
	_ =	swait.ge @p1 [sflag:s23], $0x4000  }
0xba: {  	s5 =	sadd.s32 @!p1 s2, s7;
	[sflag:s23] =	ssyncset.done @p1 $0x0  }
0xbb: {  	s7 =	simm.s32 @!p1 $0x0;
	s8 =	simm.s32 @!p1 $0x5;
	[sflag:s23] =	ssyncadd.s32 @p1 $0xFFFFC000  }
0xbc: {  	[tilespmem:s7], [sflag:$0x5] =	stream.linear.gather @!p1 [hbm4b:s5+s7], $0x200, $0x200038;
	[tilespmem:$0x1E880] =	vst v63  }
0xbd: {  	_ =	swait.ge @!p1 [sflag:s8], $0x200  }
0xbe: {  	s24 =	simm.s32 @!p1 $0x300;
	s23 =	simm.s32 @!p1 $0x80;
	[sflag:s8] =	ssyncset.done @!p1 $0x0  }
0xbf: {  	s5 =	simm.s32 @!p1 $0x4400;
	[sflag:s8] =	ssyncadd.s32 @!p1 $0xFFFFFE00;
	s8 =	simm.s32 @!p1 $0x1  }
0xc0: {  	[tilespmem:s5], [sflag:$0x2] =	stream.indirect.gather @!p1 [hbm4b:s1+s23], $0x80, s24, s23, $0x2000b8;
	[tilespmem:$0x1E880] =	vst v63  }
0xc1: {  	_ =	swait.ge @!p1 [sflag:s8], $0x4000  }
0xc2: {  	s5 =	simm.s32 @!p1 $0x280;
	[sflag:s8] =	ssyncset.done @!p1 $0x0  }
0xc3: {  	s24 =	simm.s32 @!p1 $0x400;
	[sflag:s8] =	ssyncadd.s32 @!p1 $0xFFFFC000;
	s8 =	simm.s32 @!p1 $0x3  }
0xc4: {  	[spmem:s3] =	stream.indirect.scatter.add.f32 @!p1 [tilespmem:s24], [sflag:$0x3], $0x80, s5, s23, $0x2000b8;
	[tilespmem:$0x1E880] =	vst v63  }
0xc5: {  	s30 =	sadd.s32 $0xFFFFFFFF, s30;
	_ =	swait.ge @!p1 [sflag:s8], $0x4000  }
0xc6: {  	p0 =	sne.s32 s30, $0x0;
	[sflag:s8] =	ssyncset.done @!p1 $0x0  }
.Ltmp2:
0xc7: {  	[sflag:s8] =	ssyncadd.s32 @!p1 $0xFFFFC000;
	(pc) =	sbr.rel @p0 .LBB2_4-.Ltmp2, $4  }
0xc8: {  	[tilespmem:s24], [sflag:$0x1] =	stream.indirect.gather @!p1 [hbm4b:s1+s23], $0x80, s7, s23, $0x2000b8;
	[tilespmem:$0x1E880] =	vst v63  }
0xc9: {  	_ =	swait.ge [sflag:s28], $0x4000  }
0xca: {  	[sflag:s28] =	ssyncset.done $0x0  }
0xcb: {  	s31 =	sadd.s32 $0x2, s31;
	s23 =	rddreg [dreg:$0x7];
	[sflag:s28] =	ssyncadd.s32 $0xFFFFC000  }
.LBB2_5:
0xcc: {  	[spmem:s3] =	stream.indirect.scatter.add.f32 [tilespmem:s25], [sflag:$0x4], $0x80, s23, s22, $0x2000b8;
	[tilespmem:$0x1E880] =	vst v63  }
0xcd: {  	_ =	strace $0x90000049  }
0xce: {  	_ =	swait.ge [sflag:s26], $0x4000  }
0xcf: {  	[sflag:s26] =	ssyncset.done $0x0  }
0xd0: {  	s5 =	stileid.u32;
	s7 =	sshrl.u32 s6, $0x3;
	[sflag:s26] =	ssyncadd.s32 $0xFFFFC000  }
0xd1: {  	s29 =	sadd.s32 $0x1, s29;
	s5 =	sshll.u32 s5, $0x6;
	[bflag:$0x0] =	sbarrier.arrive $0xFFFF  }
0xd2: {  	p0 =	sne.s32 s29, s13;
	s5 =	sor.u32 $0x1C05, s5;
	_ =	strace $0x8000004A  }
0xd3: {  	[hbm:s12], [sflag:s5] =	dma.local [spmem:s7], $0x2780  }
.Ltmp3:
0xd4: {  	_ = 	snop;
	(pc) =	sbr.rel @p0 .LBB2_1-.Ltmp3, $4  }
0xd5: {  	_ =	swait.ge [sflag:s21], $0x2780  }
0xd6: {  	[sflag:s21] =	ssyncset.done $0x0  }
0xd7: {  	[sflag:s21] =	ssyncadd.s32 $0xFFFFD880  }
0xd8: {  	_ =	strace $0x9000004A  }
0xd9: {  	_ =	sfence.sel $0x180000  }
0xda: {  	[bflag:$0x0] =	sbarrier.arrive $0xFFFF  }
0xdb: {  	_ =	strace $0x90000047  }
0xdc: {  	s0 =	stileid.u32;
	[bflag:$0x2] =	sbarrier.arrive $0xFFFF  }
0xdd: {  	p0 =	sne.s32 s0, $0x0;
	s0 =	rddreg [dreg:$0x4]  }
0xde: {  	s0 =	sadd.s32 @!p0 $0x100000, s0  }
0xdf: {  	[sflag:s0] =	ssyncadd.tile.s32 @!p0 $0x1;
	_ =	shalt  }
.Lfunc_end2:
_tile_overlayer_lowered:
.L_overlay_start_2:
0xe0: {  	(tag) =	ssettag $0x2  }
0xe1: {  	s0 =	rddreg [dreg:$0x0];
	s2 =	stileid.u32  }
0xe2: {  	s1 =	rddreg [dreg:$0x1];
	p0 =	sne.s32 s2, $0x0  }
0xe3: {  	s3 =	rddreg [dreg:$0x2];
	[bflag:$0x3] =	sbarrier.arrive $0xFFFF;
	s2 =	simm.s32 @!p0 $0x1C05  }
0xe4: {  	[timem:s3], [sflag:s2] =	dma.local @!p0 [hbm:s0], s1  }
0xe5: {  	s0 =	simm.s32 @!p0 $0x5  }
0xe6: {  	_ =	swait.ge @!p0 [sflag:s0], s1  }
0xe7: {  	s1 =	ssub.s32 @!p0 $0x0, s1;
	[sflag:s0] =	ssyncset.done @!p0 $0x0  }
0xe8: {  	[sflag:s0] =	ssyncadd.s32 @!p0 s1  }
0xe9: {  	[bflag:$0x3] =	sbarrier.arrive $0xFFFF  }
0xea: {  	_ =	shalt  }

</sc_bundles>
